<compile_context>
chip_gen: v7x
topology: tpu7x:2x2x1
jax: 0.10.2.dev20260603
libtpu: 0.0.44.dev20260713+nightly
codegen_flags: <defaults>
</compile_context>

<pallas_src>
import functools

import jax
import jax.numpy as jnp
from jax import lax
from jax.experimental import pallas as pl
from jax.experimental.pallas import tpu as pltpu
from jax.experimental.pallas import tpu_sc as plsc

D_IN = 4096
D_FEAT = 1024
BATCH = 4096

NC, NS, L = 2, 16, 16
NW = NC * NS
R = 8
G = D_IN // L

SC_BATCH = 2560
ROWS_PER_W = SC_BATCH // NW
CHUNKS = ROWS_PER_W // R

_mesh = plsc.VectorSubcoreMesh(core_axis_name="c", subcore_axis_name="s")


@functools.partial(
    pl.kernel,
    out_type=jax.ShapeDtypeStruct((SC_BATCH, D_FEAT), jnp.float32),
    mesh=_mesh,
    scratch_types=(
        [
            pltpu.VMEM((D_IN,), jnp.int32),
            pltpu.VMEM((D_IN,), jnp.float32),
            pltpu.VMEM((R, D_IN), jnp.float32),
            pltpu.VMEM((R, D_IN), jnp.float32),
        ]
        + [pltpu.VMEM((D_FEAT,), jnp.float32)] * (2 * R)
        + [pltpu.SemaphoreType.DMA] * 4
    ),
    compiler_params=pltpu.CompilerParams(needs_layout_passes=False),
)
def _count_sketch_sc(x_hbm, i_hbm, s_hbm, out_hbm,
                     ibuf, sbuf, xbuf0, xbuf1, *rest):
    accs = (rest[0:R], rest[R:2 * R])
    sem_in = (rest[2 * R], rest[2 * R + 1])
    sem_out = (rest[2 * R + 2], rest[2 * R + 3])
    xbufs = (xbuf0, xbuf1)

    wid = lax.axis_index("s") * NC + lax.axis_index("c")
    base = wid * ROWS_PER_W

    pltpu.sync_copy(i_hbm, ibuf)
    pltpu.sync_copy(s_hbm, sbuf)

    pltpu.async_copy(x_hbm.at[pl.ds(base, R)], xbuf0, sem_in[0])
    pltpu.async_copy(x_hbm.at[pl.ds(base + R, R)], xbuf1, sem_in[1])

    zv = jnp.zeros((L,), jnp.float32)

    @pl.loop(0, CHUNKS, step=2)
    def _chunk(c):
        for b in range(2):
            cc = c + b
            xb = xbufs[b]
            acc = accs[b]
            pltpu.make_async_copy(x_hbm.at[pl.ds(0, R)], xb, sem_in[b]).wait()

            @pl.when(c >= 2)
            def _drain():
                for r in range(R):
                    pltpu.make_async_copy(
                        out_hbm.at[0], acc[r], sem_out[b]).wait()

            @plsc.parallel_loop(0, D_FEAT // L, unroll=4)
            def _zero(k):
                for r in range(R):
                    acc[r][pl.ds(k * L, L)] = zv

            @plsc.parallel_loop(0, G, unroll=4)
            def _accum(g):
                iv = ibuf[pl.ds(g * L, L)]
                sv = sbuf[pl.ds(g * L, L)]
                for r in range(R):
                    xv = xb[r, pl.ds(g * L, L)]
                    plsc.addupdate_scatter(acc[r], [iv], xv * sv)

            @pl.when(cc + 2 < CHUNKS)
            def _refill():
                pltpu.async_copy(
                    x_hbm.at[pl.ds(base + (cc + 2) * R, R)], xb, sem_in[b])

            for r in range(R):
                pltpu.async_copy(
                    acc[r], out_hbm.at[base + cc * R + r], sem_out[b])

    for b in range(2):
        for r in range(R):
            pltpu.make_async_copy(
                out_hbm.at[0], accs[b][r], sem_out[b]).wait()



TC_BATCH = BATCH - SC_BATCH
BM = 256
BK = 512
KT = D_IN // BK


def _tc_body(ih_ref, sh_ref, x_ref, o_ref):
    k = pl.program_id(1)
    ih = ih_ref[0, 0, :]
    sh = sh_ref[0, 0, :]
    cols = lax.broadcasted_iota(jnp.int32, (BK, D_FEAT), 1)
    onehot = jnp.where(ih[:, None] == cols, sh[:, None], 0.0).astype(jnp.bfloat16)
    part = jnp.dot(x_ref[...].astype(jnp.bfloat16), onehot,
                   preferred_element_type=jnp.float32)

    @pl.when(k == 0)
    def _init():
        o_ref[...] = part

    @pl.when(k > 0)
    def _acc():
        o_ref[...] += part


_tc_sketch = pl.pallas_call(
    _tc_body,
    grid=(TC_BATCH // BM, KT),
    in_specs=[
        pl.BlockSpec((1, 1, BK), lambda m, k: (k, 0, 0)),
        pl.BlockSpec((1, 1, BK), lambda m, k: (k, 0, 0)),
        pl.BlockSpec((BM, BK), lambda m, k: (m + SC_BATCH // BM, k)),
    ],
    out_specs=pl.BlockSpec((BM, D_FEAT), lambda m, k: (m, 0)),
    out_shape=jax.ShapeDtypeStruct((TC_BATCH, D_FEAT), jnp.float32),
    compiler_params=pltpu.CompilerParams(
        dimension_semantics=("parallel", "arbitrary")),
)


def kernel(x, i_hash, s_hash):
    ih3 = i_hash.reshape(KT, 1, BK)
    sh3 = s_hash.reshape(KT, 1, BK)
    out_tc = _tc_sketch(ih3, sh3, x)
    out_sc = _count_sketch_sc(x, i_hash, s_hash)
    return jnp.concatenate([out_sc, out_tc], axis=0)

# --- scband reference (transcript-rebuilt; emitter-appended) ---
"""Pipeline reference for scband-count-sketch-85710367359545 (READ-ONLY COPY).

The authoritative reference and input builder live on the scoring server;
editing this copy changes nothing except your own understanding.
"""

import jax, jax.numpy as jnp
import numpy as np

D_IN = 4096
D_FEATURES = 1024
BATCH = 4096


def setup_inputs(seed: int = 0) -> dict:
    key = jax.random.key(seed)
    k1, k2, k3 = jax.random.split(key, 3)
    x = jax.random.normal(k1, (BATCH, D_IN), dtype=jnp.float32)
    # resample(): i_hash ~ Uniform{0..d_features-1}, s_hash ~ Rademacher {+1,-1}
    i_hash = jax.random.randint(k2, (D_IN,), 0, D_FEATURES, dtype=jnp.int32)
    s_hash = jnp.where(jax.random.bernoulli(k3, 0.5, (D_IN,)), 1.0, -1.0).astype(jnp.float32)
    return {"x": x, "i_hash": i_hash, "s_hash": s_hash}


def reference(x, i_hash, s_hash):
    # Faithful translation of CountSketch.forward with sketch_type='scatter',
    # complex_weights=False:
    #   y = x * s_hash
    #   output.scatter_add_(dim=-1, index=i_hash.expand(*y.shape), src=y)
    original_shape = (*x.shape[:-1], D_FEATURES)
    x2 = x.reshape(-1, x.shape[-1])
    y = x2 * s_hash  # sign flip, broadcast over batch
    output = jnp.zeros((x2.shape[0], D_FEATURES), dtype=jnp.float32)
    # scatter-add each input column j into bin i_hash[j] for every row
    output = output.at[:, i_hash].add(y)
    return output.reshape(original_shape)

if __name__ == "__main__":
    import jax
    _d = setup_inputs()
    print(jax.jit(kernel)(*tuple(_d.values())))

</pallas_src>

<mosaic_0001>
#map = affine_map<(d0, d1) -> (0, 0)>
#map1 = affine_map<(d0, d1) -> (0)>
module attributes {stable_mosaic.version = 14 : i64} {
  func.func @_count_sketch_sc(%arg0: i32, %arg1: i32, %arg2: memref<4096x4096xf32, #tpu.memory_space<hbm>>, %arg3: memref<4096xi32, #tpu.memory_space<hbm>>, %arg4: memref<4096xf32, #tpu.memory_space<hbm>>, %arg5: memref<2560x1024xf32, #tpu.memory_space<hbm>>, %arg6: memref<4096xi32, #tpu.memory_space<vmem>>, %arg7: memref<4096xf32, #tpu.memory_space<vmem>>, %arg8: memref<8x4096xf32, #tpu.memory_space<vmem>>, %arg9: memref<8x4096xf32, #tpu.memory_space<vmem>>, %arg10: memref<1024xf32, #tpu.memory_space<vmem>>, %arg11: memref<1024xf32, #tpu.memory_space<vmem>>, %arg12: memref<1024xf32, #tpu.memory_space<vmem>>, %arg13: memref<1024xf32, #tpu.memory_space<vmem>>, %arg14: memref<1024xf32, #tpu.memory_space<vmem>>, %arg15: memref<1024xf32, #tpu.memory_space<vmem>>, %arg16: memref<1024xf32, #tpu.memory_space<vmem>>, %arg17: memref<1024xf32, #tpu.memory_space<vmem>>, %arg18: memref<1024xf32, #tpu.memory_space<vmem>>, %arg19: memref<1024xf32, #tpu.memory_space<vmem>>, %arg20: memref<1024xf32, #tpu.memory_space<vmem>>, %arg21: memref<1024xf32, #tpu.memory_space<vmem>>, %arg22: memref<1024xf32, #tpu.memory_space<vmem>>, %arg23: memref<1024xf32, #tpu.memory_space<vmem>>, %arg24: memref<1024xf32, #tpu.memory_space<vmem>>, %arg25: memref<1024xf32, #tpu.memory_space<vmem>>, %arg26: memref<!tpu.dma_semaphore, #tpu.memory_space<semaphore_mem>>, %arg27: memref<!tpu.dma_semaphore, #tpu.memory_space<semaphore_mem>>, %arg28: memref<!tpu.dma_semaphore, #tpu.memory_space<semaphore_mem>>, %arg29: memref<!tpu.dma_semaphore, #tpu.memory_space<semaphore_mem>>) attributes {dimension_semantics = [#tpu.dimension_semantics<core_parallel>, #tpu.dimension_semantics<subcore_parallel>], iteration_bounds = array<i64: 2, 16>, scalar_prefetch = 0 : i64, scratch_operands = 24 : i64, tpu.core_type = #tpu.core_type<sc_vector_subcore>, window_params = [{transform_indices = #map}, {transform_indices = #map1}, {transform_indices = #map1}, {transform_indices = #map}]} {
    %mul3A = arith.constant 2 : i32
    %mul3A_0 = arith.muli %arg1, %mul3A : i32
    %add3A = arith.addi %mul3A_0, %arg0 : i32
    %mul3A_1 = arith.constant 80 : i32
    %mul3A_2 = arith.muli %add3A, %mul3A_1 : i32
    "tpu.region"() ({
      %run_scoped3A = tpu.sem_alloc : memref<!tpu.dma_semaphore, #tpu.memory_space<semaphore_mem>>
      tpu.enqueue_dma source(%arg3 : memref<4096xi32, #tpu.memory_space<hbm>>) target(%arg6 : memref<4096xi32, #tpu.memory_space<vmem>>) target_semaphore(%run_scoped3A : memref<!tpu.dma_semaphore, #tpu.memory_space<semaphore_mem>>)
      tpu.wait_dma2 semaphore(%run_scoped3A : memref<!tpu.dma_semaphore, #tpu.memory_space<semaphore_mem>>) src(%arg3 : memref<4096xi32, #tpu.memory_space<hbm>>) dst(%arg6 : memref<4096xi32, #tpu.memory_space<vmem>>)
      tpu.yield
    }) : () -> ()
    "tpu.region"() ({
      %run_scoped3A = tpu.sem_alloc : memref<!tpu.dma_semaphore, #tpu.memory_space<semaphore_mem>>
      tpu.enqueue_dma source(%arg4 : memref<4096xf32, #tpu.memory_space<hbm>>) target(%arg7 : memref<4096xf32, #tpu.memory_space<vmem>>) target_semaphore(%run_scoped3A : memref<!tpu.dma_semaphore, #tpu.memory_space<semaphore_mem>>)
      tpu.wait_dma2 semaphore(%run_scoped3A : memref<!tpu.dma_semaphore, #tpu.memory_space<semaphore_mem>>) src(%arg4 : memref<4096xf32, #tpu.memory_space<hbm>>) dst(%arg7 : memref<4096xf32, #tpu.memory_space<vmem>>)
      tpu.yield
    }) : () -> ()
    %dma_start3A = arith.constant 0 : i32
    %dma_start3A_3 = tpu.memref_slice %arg2[%mul3A_2, %dma_start3A] : memref<4096x4096xf32, #tpu.memory_space<hbm>> -> memref<8x4096xf32, #tpu.memory_space<hbm>>
    %dma_start3A_4 = arith.constant 0 : i32
    %dma_start3A_5 = tpu.memref_slice %arg2[%mul3A_2, %dma_start3A_4] : memref<4096x4096xf32, #tpu.memory_space<hbm>> -> memref<8x4096xf32, #tpu.memory_space<hbm>>
    tpu.enqueue_dma source(%dma_start3A_5 : memref<8x4096xf32, #tpu.memory_space<hbm>>) target(%arg8 : memref<8x4096xf32, #tpu.memory_space<vmem>>) target_semaphore(%arg26 : memref<!tpu.dma_semaphore, #tpu.memory_space<semaphore_mem>>)
    %add3A_6 = arith.constant 8 : i32
    %add3A_7 = arith.addi %mul3A_2, %add3A_6 : i32
    %dma_start3A_8 = arith.constant 0 : i32
    %dma_start3A_9 = tpu.memref_slice %arg2[%add3A_7, %dma_start3A_8] : memref<4096x4096xf32, #tpu.memory_space<hbm>> -> memref<8x4096xf32, #tpu.memory_space<hbm>>
    %dma_start3A_10 = arith.constant 0 : i32
    %dma_start3A_11 = tpu.memref_slice %arg2[%add3A_7, %dma_start3A_10] : memref<4096x4096xf32, #tpu.memory_space<hbm>> -> memref<8x4096xf32, #tpu.memory_space<hbm>>
    tpu.enqueue_dma source(%dma_start3A_11 : memref<8x4096xf32, #tpu.memory_space<hbm>>) target(%arg9 : memref<8x4096xf32, #tpu.memory_space<vmem>>) target_semaphore(%arg27 : memref<!tpu.dma_semaphore, #tpu.memory_space<semaphore_mem>>)
    %broadcast_in_dim3A = arith.constant 0.000000e+00 : f32
    %broadcast_in_dim3A_12 = vector.broadcast %broadcast_in_dim3A : f32 to vector<16xf32>
    %scan3A = arith.constant 0 : i32
    %scan3A_13 = arith.constant 5 : i32
    %scan3A_14 = arith.addi %scan3A, %scan3A_13 : i32
    %scan3A_15 = arith.constant 1 : i32
    scf.for %scan3A_128 = %scan3A to %scan3A_14 step %scan3A_15  : i32 {
      %mul3A_129 = arith.constant 2 : i32
      %mul3A_130 = arith.muli %scan3A_128, %mul3A_129 : i32
      %add3A_131 = arith.constant 0 : i32
      %add3A_132 = arith.addi %add3A_131, %mul3A_130 : i32
      %add3A_133 = arith.constant 0 : i32
      %add3A_134 = arith.addi %add3A_132, %add3A_133 : i32
      %dma_wait3A_135 = arith.constant 0 : i32
      %dma_wait3A_136 = arith.constant 0 : i32
      %dma_wait3A_137 = tpu.memref_slice %arg2[%dma_wait3A_135, %dma_wait3A_136] : memref<4096x4096xf32, #tpu.memory_space<hbm>> -> memref<8x4096xf32, #tpu.memory_space<hbm>>
      %dma_wait3A_138 = arith.constant 0 : i32
      %dma_wait3A_139 = arith.constant 0 : i32
      %dma_wait3A_140 = tpu.memref_slice %arg2[%dma_wait3A_138, %dma_wait3A_139] : memref<4096x4096xf32, #tpu.memory_space<hbm>> -> memref<8x4096xf32, #tpu.memory_space<hbm>>
      tpu.wait_dma2 semaphore(%arg26 : memref<!tpu.dma_semaphore, #tpu.memory_space<semaphore_mem>>) src(%dma_wait3A_140 : memref<8x4096xf32, #tpu.memory_space<hbm>>) dst(%arg8 : memref<8x4096xf32, #tpu.memory_space<vmem>>)
      %ge3A = arith.constant 2 : i32
      %ge3A_141 = arith.cmpi sge, %add3A_132, %ge3A : i32
      %convert_element_type3A = arith.extui %ge3A_141 : i1 to i32
      %cond3A = arith.constant 0 : i32
      %cond3A_142 = arith.cmpi ne, %convert_element_type3A, %cond3A : i32
      scf.if %cond3A_142 {
        %dma_wait3A_356 = arith.constant 0 : i32
        %dma_wait3A_357 = arith.constant 0 : i32
        %dma_wait3A_358 = tpu.memref_slice %arg5[%dma_wait3A_356, %dma_wait3A_357] : memref<2560x1024xf32, #tpu.memory_space<hbm>> -> memref<1x1024xf32, #tpu.memory_space<hbm>>
        %dma_wait3A_359 = tpu.memref_squeeze %dma_wait3A_358 : memref<1x1024xf32, #tpu.memory_space<hbm>> -> memref<1024xf32, #tpu.memory_space<hbm>>
        %dma_wait3A_360 = arith.constant 0 : i32
        %dma_wait3A_361 = tpu.memref_slice %arg5[%dma_wait3A_356, %dma_wait3A_360] : memref<2560x1024xf32, #tpu.memory_space<hbm>> -> memref<1x1024xf32, #tpu.memory_space<hbm>>
        %dma_wait3A_362 = tpu.memref_squeeze %dma_wait3A_361 : memref<1x1024xf32, #tpu.memory_space<hbm>> -> memref<1024xf32, #tpu.memory_space<hbm>>
        tpu.wait_dma2 semaphore(%arg28 : memref<!tpu.dma_semaphore, #tpu.memory_space<semaphore_mem>>) src(%dma_wait3A_362 : memref<1024xf32, #tpu.memory_space<hbm>>) dst(%arg10 : memref<1024xf32, #tpu.memory_space<vmem>>)
        %dma_wait3A_363 = arith.constant 0 : i32
        %dma_wait3A_364 = arith.constant 0 : i32
        %dma_wait3A_365 = tpu.memref_slice %arg5[%dma_wait3A_363, %dma_wait3A_364] : memref<2560x1024xf32, #tpu.memory_space<hbm>> -> memref<1x1024xf32, #tpu.memory_space<hbm>>
        %dma_wait3A_366 = tpu.memref_squeeze %dma_wait3A_365 : memref<1x1024xf32, #tpu.memory_space<hbm>> -> memref<1024xf32, #tpu.memory_space<hbm>>
        %dma_wait3A_367 = arith.constant 0 : i32
        %dma_wait3A_368 = tpu.memref_slice %arg5[%dma_wait3A_363, %dma_wait3A_367] : memref<2560x1024xf32, #tpu.memory_space<hbm>> -> memref<1x1024xf32, #tpu.memory_space<hbm>>
        %dma_wait3A_369 = tpu.memref_squeeze %dma_wait3A_368 : memref<1x1024xf32, #tpu.memory_space<hbm>> -> memref<1024xf32, #tpu.memory_space<hbm>>
        tpu.wait_dma2 semaphore(%arg28 : memref<!tpu.dma_semaphore, #tpu.memory_space<semaphore_mem>>) src(%dma_wait3A_369 : memref<1024xf32, #tpu.memory_space<hbm>>) dst(%arg11 : memref<1024xf32, #tpu.memory_space<vmem>>)
        %dma_wait3A_370 = arith.constant 0 : i32
        %dma_wait3A_371 = arith.constant 0 : i32
        %dma_wait3A_372 = tpu.memref_slice %arg5[%dma_wait3A_370, %dma_wait3A_371] : memref<2560x1024xf32, #tpu.memory_space<hbm>> -> memref<1x1024xf32, #tpu.memory_space<hbm>>
        %dma_wait3A_373 = tpu.memref_squeeze %dma_wait3A_372 : memref<1x1024xf32, #tpu.memory_space<hbm>> -> memref<1024xf32, #tpu.memory_space<hbm>>
        %dma_wait3A_374 = arith.constant 0 : i32
        %dma_wait3A_375 = tpu.memref_slice %arg5[%dma_wait3A_370, %dma_wait3A_374] : memref<2560x1024xf32, #tpu.memory_space<hbm>> -> memref<1x1024xf32, #tpu.memory_space<hbm>>
        %dma_wait3A_376 = tpu.memref_squeeze %dma_wait3A_375 : memref<1x1024xf32, #tpu.memory_space<hbm>> -> memref<1024xf32, #tpu.memory_space<hbm>>
        tpu.wait_dma2 semaphore(%arg28 : memref<!tpu.dma_semaphore, #tpu.memory_space<semaphore_mem>>) src(%dma_wait3A_376 : memref<1024xf32, #tpu.memory_space<hbm>>) dst(%arg12 : memref<1024xf32, #tpu.memory_space<vmem>>)
        %dma_wait3A_377 = arith.constant 0 : i32
        %dma_wait3A_378 = arith.constant 0 : i32
        %dma_wait3A_379 = tpu.memref_slice %arg5[%dma_wait3A_377, %dma_wait3A_378] : memref<2560x1024xf32, #tpu.memory_space<hbm>> -> memref<1x1024xf32, #tpu.memory_space<hbm>>
        %dma_wait3A_380 = tpu.memref_squeeze %dma_wait3A_379 : memref<1x1024xf32, #tpu.memory_space<hbm>> -> memref<1024xf32, #tpu.memory_space<hbm>>
        %dma_wait3A_381 = arith.constant 0 : i32
        %dma_wait3A_382 = tpu.memref_slice %arg5[%dma_wait3A_377, %dma_wait3A_381] : memref<2560x1024xf32, #tpu.memory_space<hbm>> -> memref<1x1024xf32, #tpu.memory_space<hbm>>
        %dma_wait3A_383 = tpu.memref_squeeze %dma_wait3A_382 : memref<1x1024xf32, #tpu.memory_space<hbm>> -> memref<1024xf32, #tpu.memory_space<hbm>>
        tpu.wait_dma2 semaphore(%arg28 : memref<!tpu.dma_semaphore, #tpu.memory_space<semaphore_mem>>) src(%dma_wait3A_383 : memref<1024xf32, #tpu.memory_space<hbm>>) dst(%arg13 : memref<1024xf32, #tpu.memory_space<vmem>>)
        %dma_wait3A_384 = arith.constant 0 : i32
        %dma_wait3A_385 = arith.constant 0 : i32
        %dma_wait3A_386 = tpu.memref_slice %arg5[%dma_wait3A_384, %dma_wait3A_385] : memref<2560x1024xf32, #tpu.memory_space<hbm>> -> memref<1x1024xf32, #tpu.memory_space<hbm>>
        %dma_wait3A_387 = tpu.memref_squeeze %dma_wait3A_386 : memref<1x1024xf32, #tpu.memory_space<hbm>> -> memref<1024xf32, #tpu.memory_space<hbm>>
        %dma_wait3A_388 = arith.constant 0 : i32
        %dma_wait3A_389 = tpu.memref_slice %arg5[%dma_wait3A_384, %dma_wait3A_388] : memref<2560x1024xf32, #tpu.memory_space<hbm>> -> memref<1x1024xf32, #tpu.memory_space<hbm>>
        %dma_wait3A_390 = tpu.memref_squeeze %dma_wait3A_389 : memref<1x1024xf32, #tpu.memory_space<hbm>> -> memref<1024xf32, #tpu.memory_space<hbm>>
        tpu.wait_dma2 semaphore(%arg28 : memref<!tpu.dma_semaphore, #tpu.memory_space<semaphore_mem>>) src(%dma_wait3A_390 : memref<1024xf32, #tpu.memory_space<hbm>>) dst(%arg14 : memref<1024xf32, #tpu.memory_space<vmem>>)
        %dma_wait3A_391 = arith.constant 0 : i32
        %dma_wait3A_392 = arith.constant 0 : i32
        %dma_wait3A_393 = tpu.memref_slice %arg5[%dma_wait3A_391, %dma_wait3A_392] : memref<2560x1024xf32, #tpu.memory_space<hbm>> -> memref<1x1024xf32, #tpu.memory_space<hbm>>
        %dma_wait3A_394 = tpu.memref_squeeze %dma_wait3A_393 : memref<1x1024xf32, #tpu.memory_space<hbm>> -> memref<1024xf32, #tpu.memory_space<hbm>>
        %dma_wait3A_395 = arith.constant 0 : i32
        %dma_wait3A_396 = tpu.memref_slice %arg5[%dma_wait3A_391, %dma_wait3A_395] : memref<2560x1024xf32, #tpu.memory_space<hbm>> -> memref<1x1024xf32, #tpu.memory_space<hbm>>
        %dma_wait3A_397 = tpu.memref_squeeze %dma_wait3A_396 : memref<1x1024xf32, #tpu.memory_space<hbm>> -> memref<1024xf32, #tpu.memory_space<hbm>>
        tpu.wait_dma2 semaphore(%arg28 : memref<!tpu.dma_semaphore, #tpu.memory_space<semaphore_mem>>) src(%dma_wait3A_397 : memref<1024xf32, #tpu.memory_space<hbm>>) dst(%arg15 : memref<1024xf32, #tpu.memory_space<vmem>>)
        %dma_wait3A_398 = arith.constant 0 : i32
        %dma_wait3A_399 = arith.constant 0 : i32
        %dma_wait3A_400 = tpu.memref_slice %arg5[%dma_wait3A_398, %dma_wait3A_399] : memref<2560x1024xf32, #tpu.memory_space<hbm>> -> memref<1x1024xf32, #tpu.memory_space<hbm>>
        %dma_wait3A_401 = tpu.memref_squeeze %dma_wait3A_400 : memref<1x1024xf32, #tpu.memory_space<hbm>> -> memref<1024xf32, #tpu.memory_space<hbm>>
        %dma_wait3A_402 = arith.constant 0 : i32
        %dma_wait3A_403 = tpu.memref_slice %arg5[%dma_wait3A_398, %dma_wait3A_402] : memref<2560x1024xf32, #tpu.memory_space<hbm>> -> memref<1x1024xf32, #tpu.memory_space<hbm>>
        %dma_wait3A_404 = tpu.memref_squeeze %dma_wait3A_403 : memref<1x1024xf32, #tpu.memory_space<hbm>> -> memref<1024xf32, #tpu.memory_space<hbm>>
        tpu.wait_dma2 semaphore(%arg28 : memref<!tpu.dma_semaphore, #tpu.memory_space<semaphore_mem>>) src(%dma_wait3A_404 : memref<1024xf32, #tpu.memory_space<hbm>>) dst(%arg16 : memref<1024xf32, #tpu.memory_space<vmem>>)
        %dma_wait3A_405 = arith.constant 0 : i32
        %dma_wait3A_406 = arith.constant 0 : i32
        %dma_wait3A_407 = tpu.memref_slice %arg5[%dma_wait3A_405, %dma_wait3A_406] : memref<2560x1024xf32, #tpu.memory_space<hbm>> -> memref<1x1024xf32, #tpu.memory_space<hbm>>
        %dma_wait3A_408 = tpu.memref_squeeze %dma_wait3A_407 : memref<1x1024xf32, #tpu.memory_space<hbm>> -> memref<1024xf32, #tpu.memory_space<hbm>>
        %dma_wait3A_409 = arith.constant 0 : i32
        %dma_wait3A_410 = tpu.memref_slice %arg5[%dma_wait3A_405, %dma_wait3A_409] : memref<2560x1024xf32, #tpu.memory_space<hbm>> -> memref<1x1024xf32, #tpu.memory_space<hbm>>
        %dma_wait3A_411 = tpu.memref_squeeze %dma_wait3A_410 : memref<1x1024xf32, #tpu.memory_space<hbm>> -> memref<1024xf32, #tpu.memory_space<hbm>>
        tpu.wait_dma2 semaphore(%arg28 : memref<!tpu.dma_semaphore, #tpu.memory_space<semaphore_mem>>) src(%dma_wait3A_411 : memref<1024xf32, #tpu.memory_space<hbm>>) dst(%arg17 : memref<1024xf32, #tpu.memory_space<vmem>>)
      } else {
      }
      %parallel_loop3A = arith.constant 0 : i32
      %parallel_loop3A_143 = arith.constant 64 : i32
      %parallel_loop3A_144 = arith.constant 1 : i32
      scf.for %parallel_loop3A_356 = %parallel_loop3A to %parallel_loop3A_143 step %parallel_loop3A_144  : i32 {
        %parallel_loop3A_357 = arith.constant 16 : i32
        %parallel_loop3A_358 = arith.muli %parallel_loop3A_356, %parallel_loop3A_357 : i32
        %parallel_loop3A_359 = arith.index_cast %parallel_loop3A_358 : i32 to index
        %parallel_loop3A_360 = tpu.vector_load %arg10[%parallel_loop3A_359] {strides = array<i32>} : memref<1024xf32, #tpu.memory_space<vmem>>, vector<16xf32>,
        tpu.vector_store %arg10[%parallel_loop3A_359], %broadcast_in_dim3A_12 {strides = array<i32>} : memref<1024xf32, #tpu.memory_space<vmem>>, vector<16xf32>,
        %parallel_loop3A_361 = arith.constant 16 : i32
        %parallel_loop3A_362 = arith.muli %parallel_loop3A_356, %parallel_loop3A_361 : i32
        %parallel_loop3A_363 = arith.index_cast %parallel_loop3A_362 : i32 to index
        %parallel_loop3A_364 = tpu.vector_load %arg11[%parallel_loop3A_363] {strides = array<i32>} : memref<1024xf32, #tpu.memory_space<vmem>>, vector<16xf32>,
        tpu.vector_store %arg11[%parallel_loop3A_363], %broadcast_in_dim3A_12 {strides = array<i32>} : memref<1024xf32, #tpu.memory_space<vmem>>, vector<16xf32>,
        %parallel_loop3A_365 = arith.constant 16 : i32
        %parallel_loop3A_366 = arith.muli %parallel_loop3A_356, %parallel_loop3A_365 : i32
        %parallel_loop3A_367 = arith.index_cast %parallel_loop3A_366 : i32 to index
        %parallel_loop3A_368 = tpu.vector_load %arg12[%parallel_loop3A_367] {strides = array<i32>} : memref<1024xf32, #tpu.memory_space<vmem>>, vector<16xf32>,
        tpu.vector_store %arg12[%parallel_loop3A_367], %broadcast_in_dim3A_12 {strides = array<i32>} : memref<1024xf32, #tpu.memory_space<vmem>>, vector<16xf32>,
        %parallel_loop3A_369 = arith.constant 16 : i32
        %parallel_loop3A_370 = arith.muli %parallel_loop3A_356, %parallel_loop3A_369 : i32
        %parallel_loop3A_371 = arith.index_cast %parallel_loop3A_370 : i32 to index
        %parallel_loop3A_372 = tpu.vector_load %arg13[%parallel_loop3A_371] {strides = array<i32>} : memref<1024xf32, #tpu.memory_space<vmem>>, vector<16xf32>,
        tpu.vector_store %arg13[%parallel_loop3A_371], %broadcast_in_dim3A_12 {strides = array<i32>} : memref<1024xf32, #tpu.memory_space<vmem>>, vector<16xf32>,
        %parallel_loop3A_373 = arith.constant 16 : i32
        %parallel_loop3A_374 = arith.muli %parallel_loop3A_356, %parallel_loop3A_373 : i32
        %parallel_loop3A_375 = arith.index_cast %parallel_loop3A_374 : i32 to index
        %parallel_loop3A_376 = tpu.vector_load %arg14[%parallel_loop3A_375] {strides = array<i32>} : memref<1024xf32, #tpu.memory_space<vmem>>, vector<16xf32>,
        tpu.vector_store %arg14[%parallel_loop3A_375], %broadcast_in_dim3A_12 {strides = array<i32>} : memref<1024xf32, #tpu.memory_space<vmem>>, vector<16xf32>,
        %parallel_loop3A_377 = arith.constant 16 : i32
        %parallel_loop3A_378 = arith.muli %parallel_loop3A_356, %parallel_loop3A_377 : i32
        %parallel_loop3A_379 = arith.index_cast %parallel_loop3A_378 : i32 to index
        %parallel_loop3A_380 = tpu.vector_load %arg15[%parallel_loop3A_379] {strides = array<i32>} : memref<1024xf32, #tpu.memory_space<vmem>>, vector<16xf32>,
        tpu.vector_store %arg15[%parallel_loop3A_379], %broadcast_in_dim3A_12 {strides = array<i32>} : memref<1024xf32, #tpu.memory_space<vmem>>, vector<16xf32>,
        %parallel_loop3A_381 = arith.constant 16 : i32
        %parallel_loop3A_382 = arith.muli %parallel_loop3A_356, %parallel_loop3A_381 : i32
        %parallel_loop3A_383 = arith.index_cast %parallel_loop3A_382 : i32 to index
        %parallel_loop3A_384 = tpu.vector_load %arg16[%parallel_loop3A_383] {strides = array<i32>} : memref<1024xf32, #tpu.memory_space<vmem>>, vector<16xf32>,
        tpu.vector_store %arg16[%parallel_loop3A_383], %broadcast_in_dim3A_12 {strides = array<i32>} : memref<1024xf32, #tpu.memory_space<vmem>>, vector<16xf32>,
        %parallel_loop3A_385 = arith.constant 16 : i32
        %parallel_loop3A_386 = arith.muli %parallel_loop3A_356, %parallel_loop3A_385 : i32
        %parallel_loop3A_387 = arith.index_cast %parallel_loop3A_386 : i32 to index
        %parallel_loop3A_388 = tpu.vector_load %arg17[%parallel_loop3A_387] {strides = array<i32>} : memref<1024xf32, #tpu.memory_space<vmem>>, vector<16xf32>,
        tpu.vector_store %arg17[%parallel_loop3A_387], %broadcast_in_dim3A_12 {strides = array<i32>} : memref<1024xf32, #tpu.memory_space<vmem>>, vector<16xf32>,
      } {sc.loop_unroll_factor = 4 : i64, sc.parallel_access}
      %parallel_loop3A_145 = arith.constant 0 : i32
      %parallel_loop3A_146 = arith.constant 256 : i32
      %parallel_loop3A_147 = arith.constant 1 : i32
      scf.for %parallel_loop3A_356 = %parallel_loop3A_145 to %parallel_loop3A_146 step %parallel_loop3A_147  : i32 {
        %parallel_loop3A_357 = arith.constant 16 : i32
        %parallel_loop3A_358 = arith.muli %parallel_loop3A_356, %parallel_loop3A_357 : i32
        %parallel_loop3A_359 = arith.index_cast %parallel_loop3A_358 : i32 to index
        %parallel_loop3A_360 = tpu.vector_load %arg6[%parallel_loop3A_359] {strides = array<i32>} : memref<4096xi32, #tpu.memory_space<vmem>>, vector<16xi32>,
        %parallel_loop3A_361 = arith.constant 16 : i32
        %parallel_loop3A_362 = arith.muli %parallel_loop3A_356, %parallel_loop3A_361 : i32
        %parallel_loop3A_363 = arith.index_cast %parallel_loop3A_362 : i32 to index
        %parallel_loop3A_364 = tpu.vector_load %arg7[%parallel_loop3A_363] {strides = array<i32>} : memref<4096xf32, #tpu.memory_space<vmem>>, vector<16xf32>,
        %parallel_loop3A_365 = arith.constant 16 : i32
        %parallel_loop3A_366 = arith.muli %parallel_loop3A_356, %parallel_loop3A_365 : i32
        %parallel_loop3A_367 = arith.constant 0 : i32
        %parallel_loop3A_368 = arith.index_cast %parallel_loop3A_367 : i32 to index
        %parallel_loop3A_369 = arith.index_cast %parallel_loop3A_366 : i32 to index
        %parallel_loop3A_370 = tpu.vector_load %arg8[%parallel_loop3A_368, %parallel_loop3A_369] {strides = array<i32>} : memref<8x4096xf32, #tpu.memory_space<vmem>>, vector<16xf32>,
        %parallel_loop3A_371 = arith.mulf %parallel_loop3A_370, %parallel_loop3A_364 : vector<16xf32>
        tpu.vector_store_idx %arg10[%parallel_loop3A_360], %parallel_loop3A_371 {add = true} : memref<1024xf32, #tpu.memory_space<vmem>>[vector<16xi32>], vector<16xf32>,
        %parallel_loop3A_372 = arith.constant 16 : i32
        %parallel_loop3A_373 = arith.muli %parallel_loop3A_356, %parallel_loop3A_372 : i32
        %parallel_loop3A_374 = arith.constant 1 : i32
        %parallel_loop3A_375 = arith.index_cast %parallel_loop3A_374 : i32 to index
        %parallel_loop3A_376 = arith.index_cast %parallel_loop3A_373 : i32 to index
        %parallel_loop3A_377 = tpu.vector_load %arg8[%parallel_loop3A_375, %parallel_loop3A_376] {strides = array<i32>} : memref<8x4096xf32, #tpu.memory_space<vmem>>, vector<16xf32>,
        %parallel_loop3A_378 = arith.mulf %parallel_loop3A_377, %parallel_loop3A_364 : vector<16xf32>
        tpu.vector_store_idx %arg11[%parallel_loop3A_360], %parallel_loop3A_378 {add = true} : memref<1024xf32, #tpu.memory_space<vmem>>[vector<16xi32>], vector<16xf32>,
        %parallel_loop3A_379 = arith.constant 16 : i32
        %parallel_loop3A_380 = arith.muli %parallel_loop3A_356, %parallel_loop3A_379 : i32
        %parallel_loop3A_381 = arith.constant 2 : i32
        %parallel_loop3A_382 = arith.index_cast %parallel_loop3A_381 : i32 to index
        %parallel_loop3A_383 = arith.index_cast %parallel_loop3A_380 : i32 to index
        %parallel_loop3A_384 = tpu.vector_load %arg8[%parallel_loop3A_382, %parallel_loop3A_383] {strides = array<i32>} : memref<8x4096xf32, #tpu.memory_space<vmem>>, vector<16xf32>,
        %parallel_loop3A_385 = arith.mulf %parallel_loop3A_384, %parallel_loop3A_364 : vector<16xf32>
        tpu.vector_store_idx %arg12[%parallel_loop3A_360], %parallel_loop3A_385 {add = true} : memref<1024xf32, #tpu.memory_space<vmem>>[vector<16xi32>], vector<16xf32>,
        %parallel_loop3A_386 = arith.constant 16 : i32
        %parallel_loop3A_387 = arith.muli %parallel_loop3A_356, %parallel_loop3A_386 : i32
        %parallel_loop3A_388 = arith.constant 3 : i32
        %parallel_loop3A_389 = arith.index_cast %parallel_loop3A_388 : i32 to index
        %parallel_loop3A_390 = arith.index_cast %parallel_loop3A_387 : i32 to index
        %parallel_loop3A_391 = tpu.vector_load %arg8[%parallel_loop3A_389, %parallel_loop3A_390] {strides = array<i32>} : memref<8x4096xf32, #tpu.memory_space<vmem>>, vector<16xf32>,
        %parallel_loop3A_392 = arith.mulf %parallel_loop3A_391, %parallel_loop3A_364 : vector<16xf32>
        tpu.vector_store_idx %arg13[%parallel_loop3A_360], %parallel_loop3A_392 {add = true} : memref<1024xf32, #tpu.memory_space<vmem>>[vector<16xi32>], vector<16xf32>,
        %parallel_loop3A_393 = arith.constant 16 : i32
        %parallel_loop3A_394 = arith.muli %parallel_loop3A_356, %parallel_loop3A_393 : i32
        %parallel_loop3A_395 = arith.constant 4 : i32
        %parallel_loop3A_396 = arith.index_cast %parallel_loop3A_395 : i32 to index
        %parallel_loop3A_397 = arith.index_cast %parallel_loop3A_394 : i32 to index
        %parallel_loop3A_398 = tpu.vector_load %arg8[%parallel_loop3A_396, %parallel_loop3A_397] {strides = array<i32>} : memref<8x4096xf32, #tpu.memory_space<vmem>>, vector<16xf32>,
        %parallel_loop3A_399 = arith.mulf %parallel_loop3A_398, %parallel_loop3A_364 : vector<16xf32>
        tpu.vector_store_idx %arg14[%parallel_loop3A_360], %parallel_loop3A_399 {add = true} : memref<1024xf32, #tpu.memory_space<vmem>>[vector<16xi32>], vector<16xf32>,
        %parallel_loop3A_400 = arith.constant 16 : i32
        %parallel_loop3A_401 = arith.muli %parallel_loop3A_356, %parallel_loop3A_400 : i32
        %parallel_loop3A_402 = arith.constant 5 : i32
        %parallel_loop3A_403 = arith.index_cast %parallel_loop3A_402 : i32 to index
        %parallel_loop3A_404 = arith.index_cast %parallel_loop3A_401 : i32 to index
        %parallel_loop3A_405 = tpu.vector_load %arg8[%parallel_loop3A_403, %parallel_loop3A_404] {strides = array<i32>} : memref<8x4096xf32, #tpu.memory_space<vmem>>, vector<16xf32>,
        %parallel_loop3A_406 = arith.mulf %parallel_loop3A_405, %parallel_loop3A_364 : vector<16xf32>
        tpu.vector_store_idx %arg15[%parallel_loop3A_360], %parallel_loop3A_406 {add = true} : memref<1024xf32, #tpu.memory_space<vmem>>[vector<16xi32>], vector<16xf32>,
        %parallel_loop3A_407 = arith.constant 16 : i32
        %parallel_loop3A_408 = arith.muli %parallel_loop3A_356, %parallel_loop3A_407 : i32
        %parallel_loop3A_409 = arith.constant 6 : i32
        %parallel_loop3A_410 = arith.index_cast %parallel_loop3A_409 : i32 to index
        %parallel_loop3A_411 = arith.index_cast %parallel_loop3A_408 : i32 to index
        %parallel_loop3A_412 = tpu.vector_load %arg8[%parallel_loop3A_410, %parallel_loop3A_411] {strides = array<i32>} : memref<8x4096xf32, #tpu.memory_space<vmem>>, vector<16xf32>,
        %parallel_loop3A_413 = arith.mulf %parallel_loop3A_412, %parallel_loop3A_364 : vector<16xf32>
        tpu.vector_store_idx %arg16[%parallel_loop3A_360], %parallel_loop3A_413 {add = true} : memref<1024xf32, #tpu.memory_space<vmem>>[vector<16xi32>], vector<16xf32>,
        %parallel_loop3A_414 = arith.constant 16 : i32
        %parallel_loop3A_415 = arith.muli %parallel_loop3A_356, %parallel_loop3A_414 : i32
        %parallel_loop3A_416 = arith.constant 7 : i32
        %parallel_loop3A_417 = arith.index_cast %parallel_loop3A_416 : i32 to index
        %parallel_loop3A_418 = arith.index_cast %parallel_loop3A_415 : i32 to index
        %parallel_loop3A_419 = tpu.vector_load %arg8[%parallel_loop3A_417, %parallel_loop3A_418] {strides = array<i32>} : memref<8x4096xf32, #tpu.memory_space<vmem>>, vector<16xf32>,
        %parallel_loop3A_420 = arith.mulf %parallel_loop3A_419, %parallel_loop3A_364 : vector<16xf32>
        tpu.vector_store_idx %arg17[%parallel_loop3A_360], %parallel_loop3A_420 {add = true} : memref<1024xf32, #tpu.memory_space<vmem>>[vector<16xi32>], vector<16xf32>,
      } {sc.loop_unroll_factor = 4 : i64, sc.parallel_access}
      %add3A_148 = arith.constant 2 : i32
      %add3A_149 = arith.addi %add3A_134, %add3A_148 : i32
      %lt3A = arith.constant 10 : i32
      %lt3A_150 = arith.cmpi slt, %add3A_149, %lt3A : i32
      %convert_element_type3A_151 = arith.extui %lt3A_150 : i1 to i32
      %cond3A_152 = arith.constant 0 : i32
      %cond3A_153 = arith.cmpi ne, %convert_element_type3A_151, %cond3A_152 : i32
      scf.if %cond3A_153 {
        %add3A_356 = arith.constant 2 : i32
        %add3A_357 = arith.addi %add3A_134, %add3A_356 : i32
        %mul3A_358 = arith.constant 8 : i32
        %mul3A_359 = arith.muli %add3A_357, %mul3A_358 : i32
        %add3A_360 = arith.addi %mul3A_2, %mul3A_359 : i32
        %dma_start3A_361 = arith.constant 0 : i32
        %dma_start3A_362 = tpu.memref_slice %arg2[%add3A_360, %dma_start3A_361] : memref<4096x4096xf32, #tpu.memory_space<hbm>> -> memref<8x4096xf32, #tpu.memory_space<hbm>>
        %dma_start3A_363 = arith.constant 0 : i32
        %dma_start3A_364 = tpu.memref_slice %arg2[%add3A_360, %dma_start3A_363] : memref<4096x4096xf32, #tpu.memory_space<hbm>> -> memref<8x4096xf32, #tpu.memory_space<hbm>>
        tpu.enqueue_dma source(%dma_start3A_364 : memref<8x4096xf32, #tpu.memory_space<hbm>>) target(%arg8 : memref<8x4096xf32, #tpu.memory_space<vmem>>) target_semaphore(%arg26 : memref<!tpu.dma_semaphore, #tpu.memory_space<semaphore_mem>>)
      } else {
      }
      %mul3A_154 = arith.constant 8 : i32
      %mul3A_155 = arith.muli %add3A_134, %mul3A_154 : i32
      %add3A_156 = arith.addi %mul3A_2, %mul3A_155 : i32
      %add3A_157 = arith.constant 0 : i32
      %add3A_158 = arith.addi %add3A_156, %add3A_157 : i32
      %dma_start3A_159 = arith.constant 0 : i32
      %dma_start3A_160 = tpu.memref_slice %arg5[%add3A_158, %dma_start3A_159] : memref<2560x1024xf32, #tpu.memory_space<hbm>> -> memref<1x1024xf32, #tpu.memory_space<hbm>>
      %dma_start3A_161 = tpu.memref_squeeze %dma_start3A_160 : memref<1x1024xf32, #tpu.memory_space<hbm>> -> memref<1024xf32, #tpu.memory_space<hbm>>
      %dma_start3A_162 = arith.constant 0 : i32
      %dma_start3A_163 = tpu.memref_slice %arg5[%add3A_158, %dma_start3A_162] : memref<2560x1024xf32, #tpu.memory_space<hbm>> -> memref<1x1024xf32, #tpu.memory_space<hbm>>
      %dma_start3A_164 = tpu.memref_squeeze %dma_start3A_163 : memref<1x1024xf32, #tpu.memory_space<hbm>> -> memref<1024xf32, #tpu.memory_space<hbm>>
      tpu.enqueue_dma source(%arg10 : memref<1024xf32, #tpu.memory_space<vmem>>) target(%dma_start3A_164 : memref<1024xf32, #tpu.memory_space<hbm>>) target_semaphore(%arg28 : memref<!tpu.dma_semaphore, #tpu.memory_space<semaphore_mem>>)
      %mul3A_165 = arith.constant 8 : i32
      %mul3A_166 = arith.muli %add3A_134, %mul3A_165 : i32
      %add3A_167 = arith.addi %mul3A_2, %mul3A_166 : i32
      %add3A_168 = arith.constant 1 : i32
      %add3A_169 = arith.addi %add3A_167, %add3A_168 : i32
      %dma_start3A_170 = arith.constant 0 : i32
      %dma_start3A_171 = tpu.memref_slice %arg5[%add3A_169, %dma_start3A_170] : memref<2560x1024xf32, #tpu.memory_space<hbm>> -> memref<1x1024xf32, #tpu.memory_space<hbm>>
      %dma_start3A_172 = tpu.memref_squeeze %dma_start3A_171 : memref<1x1024xf32, #tpu.memory_space<hbm>> -> memref<1024xf32, #tpu.memory_space<hbm>>
      %dma_start3A_173 = arith.constant 0 : i32
      %dma_start3A_174 = tpu.memref_slice %arg5[%add3A_169, %dma_start3A_173] : memref<2560x1024xf32, #tpu.memory_space<hbm>> -> memref<1x1024xf32, #tpu.memory_space<hbm>>
      %dma_start3A_175 = tpu.memref_squeeze %dma_start3A_174 : memref<1x1024xf32, #tpu.memory_space<hbm>> -> memref<1024xf32, #tpu.memory_space<hbm>>
      tpu.enqueue_dma source(%arg11 : memref<1024xf32, #tpu.memory_space<vmem>>) target(%dma_start3A_175 : memref<1024xf32, #tpu.memory_space<hbm>>) target_semaphore(%arg28 : memref<!tpu.dma_semaphore, #tpu.memory_space<semaphore_mem>>)
      %mul3A_176 = arith.constant 8 : i32
      %mul3A_177 = arith.muli %add3A_134, %mul3A_176 : i32
      %add3A_178 = arith.addi %mul3A_2, %mul3A_177 : i32
      %add3A_179 = arith.constant 2 : i32
      %add3A_180 = arith.addi %add3A_178, %add3A_179 : i32
      %dma_start3A_181 = arith.constant 0 : i32
      %dma_start3A_182 = tpu.memref_slice %arg5[%add3A_180, %dma_start3A_181] : memref<2560x1024xf32, #tpu.memory_space<hbm>> -> memref<1x1024xf32, #tpu.memory_space<hbm>>
      %dma_start3A_183 = tpu.memref_squeeze %dma_start3A_182 : memref<1x1024xf32, #tpu.memory_space<hbm>> -> memref<1024xf32, #tpu.memory_space<hbm>>
      %dma_start3A_184 = arith.constant 0 : i32
      %dma_start3A_185 = tpu.memref_slice %arg5[%add3A_180, %dma_start3A_184] : memref<2560x1024xf32, #tpu.memory_space<hbm>> -> memref<1x1024xf32, #tpu.memory_space<hbm>>
      %dma_start3A_186 = tpu.memref_squeeze %dma_start3A_185 : memref<1x1024xf32, #tpu.memory_space<hbm>> -> memref<1024xf32, #tpu.memory_space<hbm>>
      tpu.enqueue_dma source(%arg12 : memref<1024xf32, #tpu.memory_space<vmem>>) target(%dma_start3A_186 : memref<1024xf32, #tpu.memory_space<hbm>>) target_semaphore(%arg28 : memref<!tpu.dma_semaphore, #tpu.memory_space<semaphore_mem>>)
      %mul3A_187 = arith.constant 8 : i32
      %mul3A_188 = arith.muli %add3A_134, %mul3A_187 : i32
      %add3A_189 = arith.addi %mul3A_2, %mul3A_188 : i32
      %add3A_190 = arith.constant 3 : i32
      %add3A_191 = arith.addi %add3A_189, %add3A_190 : i32
      %dma_start3A_192 = arith.constant 0 : i32
      %dma_start3A_193 = tpu.memref_slice %arg5[%add3A_191, %dma_start3A_192] : memref<2560x1024xf32, #tpu.memory_space<hbm>> -> memref<1x1024xf32, #tpu.memory_space<hbm>>
      %dma_start3A_194 = tpu.memref_squeeze %dma_start3A_193 : memref<1x1024xf32, #tpu.memory_space<hbm>> -> memref<1024xf32, #tpu.memory_space<hbm>>
      %dma_start3A_195 = arith.constant 0 : i32
      %dma_start3A_196 = tpu.memref_slice %arg5[%add3A_191, %dma_start3A_195] : memref<2560x1024xf32, #tpu.memory_space<hbm>> -> memref<1x1024xf32, #tpu.memory_space<hbm>>
      %dma_start3A_197 = tpu.memref_squeeze %dma_start3A_196 : memref<1x1024xf32, #tpu.memory_space<hbm>> -> memref<1024xf32, #tpu.memory_space<hbm>>
      tpu.enqueue_dma source(%arg13 : memref<1024xf32, #tpu.memory_space<vmem>>) target(%dma_start3A_197 : memref<1024xf32, #tpu.memory_space<hbm>>) target_semaphore(%arg28 : memref<!tpu.dma_semaphore, #tpu.memory_space<semaphore_mem>>)
      %mul3A_198 = arith.constant 8 : i32
      %mul3A_199 = arith.muli %add3A_134, %mul3A_198 : i32
      %add3A_200 = arith.addi %mul3A_2, %mul3A_199 : i32
      %add3A_201 = arith.constant 4 : i32
      %add3A_202 = arith.addi %add3A_200, %add3A_201 : i32
      %dma_start3A_203 = arith.constant 0 : i32
      %dma_start3A_204 = tpu.memref_slice %arg5[%add3A_202, %dma_start3A_203] : memref<2560x1024xf32, #tpu.memory_space<hbm>> -> memref<1x1024xf32, #tpu.memory_space<hbm>>
      %dma_start3A_205 = tpu.memref_squeeze %dma_start3A_204 : memref<1x1024xf32, #tpu.memory_space<hbm>> -> memref<1024xf32, #tpu.memory_space<hbm>>
      %dma_start3A_206 = arith.constant 0 : i32
      %dma_start3A_207 = tpu.memref_slice %arg5[%add3A_202, %dma_start3A_206] : memref<2560x1024xf32, #tpu.memory_space<hbm>> -> memref<1x1024xf32, #tpu.memory_space<hbm>>
      %dma_start3A_208 = tpu.memref_squeeze %dma_start3A_207 : memref<1x1024xf32, #tpu.memory_space<hbm>> -> memref<1024xf32, #tpu.memory_space<hbm>>
      tpu.enqueue_dma source(%arg14 : memref<1024xf32, #tpu.memory_space<vmem>>) target(%dma_start3A_208 : memref<1024xf32, #tpu.memory_space<hbm>>) target_semaphore(%arg28 : memref<!tpu.dma_semaphore, #tpu.memory_space<semaphore_mem>>)
      %mul3A_209 = arith.constant 8 : i32
      %mul3A_210 = arith.muli %add3A_134, %mul3A_209 : i32
      %add3A_211 = arith.addi %mul3A_2, %mul3A_210 : i32
      %add3A_212 = arith.constant 5 : i32
      %add3A_213 = arith.addi %add3A_211, %add3A_212 : i32
      %dma_start3A_214 = arith.constant 0 : i32
      %dma_start3A_215 = tpu.memref_slice %arg5[%add3A_213, %dma_start3A_214] : memref<2560x1024xf32, #tpu.memory_space<hbm>> -> memref<1x1024xf32, #tpu.memory_space<hbm>>
      %dma_start3A_216 = tpu.memref_squeeze %dma_start3A_215 : memref<1x1024xf32, #tpu.memory_space<hbm>> -> memref<1024xf32, #tpu.memory_space<hbm>>
      %dma_start3A_217 = arith.constant 0 : i32
      %dma_start3A_218 = tpu.memref_slice %arg5[%add3A_213, %dma_start3A_217] : memref<2560x1024xf32, #tpu.memory_space<hbm>> -> memref<1x1024xf32, #tpu.memory_space<hbm>>
      %dma_start3A_219 = tpu.memref_squeeze %dma_start3A_218 : memref<1x1024xf32, #tpu.memory_space<hbm>> -> memref<1024xf32, #tpu.memory_space<hbm>>
      tpu.enqueue_dma source(%arg15 : memref<1024xf32, #tpu.memory_space<vmem>>) target(%dma_start3A_219 : memref<1024xf32, #tpu.memory_space<hbm>>) target_semaphore(%arg28 : memref<!tpu.dma_semaphore, #tpu.memory_space<semaphore_mem>>)
      %mul3A_220 = arith.constant 8 : i32
      %mul3A_221 = arith.muli %add3A_134, %mul3A_220 : i32
      %add3A_222 = arith.addi %mul3A_2, %mul3A_221 : i32
      %add3A_223 = arith.constant 6 : i32
      %add3A_224 = arith.addi %add3A_222, %add3A_223 : i32
      %dma_start3A_225 = arith.constant 0 : i32
      %dma_start3A_226 = tpu.memref_slice %arg5[%add3A_224, %dma_start3A_225] : memref<2560x1024xf32, #tpu.memory_space<hbm>> -> memref<1x1024xf32, #tpu.memory_space<hbm>>
      %dma_start3A_227 = tpu.memref_squeeze %dma_start3A_226 : memref<1x1024xf32, #tpu.memory_space<hbm>> -> memref<1024xf32, #tpu.memory_space<hbm>>
      %dma_start3A_228 = arith.constant 0 : i32
      %dma_start3A_229 = tpu.memref_slice %arg5[%add3A_224, %dma_start3A_228] : memref<2560x1024xf32, #tpu.memory_space<hbm>> -> memref<1x1024xf32, #tpu.memory_space<hbm>>
      %dma_start3A_230 = tpu.memref_squeeze %dma_start3A_229 : memref<1x1024xf32, #tpu.memory_space<hbm>> -> memref<1024xf32, #tpu.memory_space<hbm>>
      tpu.enqueue_dma source(%arg16 : memref<1024xf32, #tpu.memory_space<vmem>>) target(%dma_start3A_230 : memref<1024xf32, #tpu.memory_space<hbm>>) target_semaphore(%arg28 : memref<!tpu.dma_semaphore, #tpu.memory_space<semaphore_mem>>)
      %mul3A_231 = arith.constant 8 : i32
      %mul3A_232 = arith.muli %add3A_134, %mul3A_231 : i32
      %add3A_233 = arith.addi %mul3A_2, %mul3A_232 : i32
      %add3A_234 = arith.constant 7 : i32
      %add3A_235 = arith.addi %add3A_233, %add3A_234 : i32
      %dma_start3A_236 = arith.constant 0 : i32
      %dma_start3A_237 = tpu.memref_slice %arg5[%add3A_235, %dma_start3A_236] : memref<2560x1024xf32, #tpu.memory_space<hbm>> -> memref<1x1024xf32, #tpu.memory_space<hbm>>
      %dma_start3A_238 = tpu.memref_squeeze %dma_start3A_237 : memref<1x1024xf32, #tpu.memory_space<hbm>> -> memref<1024xf32, #tpu.memory_space<hbm>>
      %dma_start3A_239 = arith.constant 0 : i32
      %dma_start3A_240 = tpu.memref_slice %arg5[%add3A_235, %dma_start3A_239] : memref<2560x1024xf32, #tpu.memory_space<hbm>> -> memref<1x1024xf32, #tpu.memory_space<hbm>>
      %dma_start3A_241 = tpu.memref_squeeze %dma_start3A_240 : memref<1x1024xf32, #tpu.memory_space<hbm>> -> memref<1024xf32, #tpu.memory_space<hbm>>
      tpu.enqueue_dma source(%arg17 : memref<1024xf32, #tpu.memory_space<vmem>>) target(%dma_start3A_241 : memref<1024xf32, #tpu.memory_space<hbm>>) target_semaphore(%arg28 : memref<!tpu.dma_semaphore, #tpu.memory_space<semaphore_mem>>)
      %add3A_242 = arith.constant 1 : i32
      %add3A_243 = arith.addi %add3A_132, %add3A_242 : i32
      %dma_wait3A_244 = arith.constant 0 : i32
      %dma_wait3A_245 = arith.constant 0 : i32
      %dma_wait3A_246 = tpu.memref_slice %arg2[%dma_wait3A_244, %dma_wait3A_245] : memref<4096x4096xf32, #tpu.memory_space<hbm>> -> memref<8x4096xf32, #tpu.memory_space<hbm>>
      %dma_wait3A_247 = arith.constant 0 : i32
      %dma_wait3A_248 = arith.constant 0 : i32
      %dma_wait3A_249 = tpu.memref_slice %arg2[%dma_wait3A_247, %dma_wait3A_248] : memref<4096x4096xf32, #tpu.memory_space<hbm>> -> memref<8x4096xf32, #tpu.memory_space<hbm>>
      tpu.wait_dma2 semaphore(%arg27 : memref<!tpu.dma_semaphore, #tpu.memory_space<semaphore_mem>>) src(%dma_wait3A_249 : memref<8x4096xf32, #tpu.memory_space<hbm>>) dst(%arg9 : memref<8x4096xf32, #tpu.memory_space<vmem>>)
      %ge3A_250 = arith.constant 2 : i32
      %ge3A_251 = arith.cmpi sge, %add3A_132, %ge3A_250 : i32
      %convert_element_type3A_252 = arith.extui %ge3A_251 : i1 to i32
      %cond3A_253 = arith.constant 0 : i32
      %cond3A_254 = arith.cmpi ne, %convert_element_type3A_252, %cond3A_253 : i32
      scf.if %cond3A_254 {
        %dma_wait3A_356 = arith.constant 0 : i32
        %dma_wait3A_357 = arith.constant 0 : i32
        %dma_wait3A_358 = tpu.memref_slice %arg5[%dma_wait3A_356, %dma_wait3A_357] : memref<2560x1024xf32, #tpu.memory_space<hbm>> -> memref<1x1024xf32, #tpu.memory_space<hbm>>
        %dma_wait3A_359 = tpu.memref_squeeze %dma_wait3A_358 : memref<1x1024xf32, #tpu.memory_space<hbm>> -> memref<1024xf32, #tpu.memory_space<hbm>>
        %dma_wait3A_360 = arith.constant 0 : i32
        %dma_wait3A_361 = tpu.memref_slice %arg5[%dma_wait3A_356, %dma_wait3A_360] : memref<2560x1024xf32, #tpu.memory_space<hbm>> -> memref<1x1024xf32, #tpu.memory_space<hbm>>
        %dma_wait3A_362 = tpu.memref_squeeze %dma_wait3A_361 : memref<1x1024xf32, #tpu.memory_space<hbm>> -> memref<1024xf32, #tpu.memory_space<hbm>>
        tpu.wait_dma2 semaphore(%arg29 : memref<!tpu.dma_semaphore, #tpu.memory_space<semaphore_mem>>) src(%dma_wait3A_362 : memref<1024xf32, #tpu.memory_space<hbm>>) dst(%arg18 : memref<1024xf32, #tpu.memory_space<vmem>>)
        %dma_wait3A_363 = arith.constant 0 : i32
        %dma_wait3A_364 = arith.constant 0 : i32
        %dma_wait3A_365 = tpu.memref_slice %arg5[%dma_wait3A_363, %dma_wait3A_364] : memref<2560x1024xf32, #tpu.memory_space<hbm>> -> memref<1x1024xf32, #tpu.memory_space<hbm>>
        %dma_wait3A_366 = tpu.memref_squeeze %dma_wait3A_365 : memref<1x1024xf32, #tpu.memory_space<hbm>> -> memref<1024xf32, #tpu.memory_space<hbm>>
        %dma_wait3A_367 = arith.constant 0 : i32
        %dma_wait3A_368 = tpu.memref_slice %arg5[%dma_wait3A_363, %dma_wait3A_367] : memref<2560x1024xf32, #tpu.memory_space<hbm>> -> memref<1x1024xf32, #tpu.memory_space<hbm>>
        %dma_wait3A_369 = tpu.memref_squeeze %dma_wait3A_368 : memref<1x1024xf32, #tpu.memory_space<hbm>> -> memref<1024xf32, #tpu.memory_space<hbm>>
        tpu.wait_dma2 semaphore(%arg29 : memref<!tpu.dma_semaphore, #tpu.memory_space<semaphore_mem>>) src(%dma_wait3A_369 : memref<1024xf32, #tpu.memory_space<hbm>>) dst(%arg19 : memref<1024xf32, #tpu.memory_space<vmem>>)
        %dma_wait3A_370 = arith.constant 0 : i32
        %dma_wait3A_371 = arith.constant 0 : i32
        %dma_wait3A_372 = tpu.memref_slice %arg5[%dma_wait3A_370, %dma_wait3A_371] : memref<2560x1024xf32, #tpu.memory_space<hbm>> -> memref<1x1024xf32, #tpu.memory_space<hbm>>
        %dma_wait3A_373 = tpu.memref_squeeze %dma_wait3A_372 : memref<1x1024xf32, #tpu.memory_space<hbm>> -> memref<1024xf32, #tpu.memory_space<hbm>>
        %dma_wait3A_374 = arith.constant 0 : i32
        %dma_wait3A_375 = tpu.memref_slice %arg5[%dma_wait3A_370, %dma_wait3A_374] : memref<2560x1024xf32, #tpu.memory_space<hbm>> -> memref<1x1024xf32, #tpu.memory_space<hbm>>
        %dma_wait3A_376 = tpu.memref_squeeze %dma_wait3A_375 : memref<1x1024xf32, #tpu.memory_space<hbm>> -> memref<1024xf32, #tpu.memory_space<hbm>>
        tpu.wait_dma2 semaphore(%arg29 : memref<!tpu.dma_semaphore, #tpu.memory_space<semaphore_mem>>) src(%dma_wait3A_376 : memref<1024xf32, #tpu.memory_space<hbm>>) dst(%arg20 : memref<1024xf32, #tpu.memory_space<vmem>>)
        %dma_wait3A_377 = arith.constant 0 : i32
        %dma_wait3A_378 = arith.constant 0 : i32
        %dma_wait3A_379 = tpu.memref_slice %arg5[%dma_wait3A_377, %dma_wait3A_378] : memref<2560x1024xf32, #tpu.memory_space<hbm>> -> memref<1x1024xf32, #tpu.memory_space<hbm>>
        %dma_wait3A_380 = tpu.memref_squeeze %dma_wait3A_379 : memref<1x1024xf32, #tpu.memory_space<hbm>> -> memref<1024xf32, #tpu.memory_space<hbm>>
        %dma_wait3A_381 = arith.constant 0 : i32
        %dma_wait3A_382 = tpu.memref_slice %arg5[%dma_wait3A_377, %dma_wait3A_381] : memref<2560x1024xf32, #tpu.memory_space<hbm>> -> memref<1x1024xf32, #tpu.memory_space<hbm>>
        %dma_wait3A_383 = tpu.memref_squeeze %dma_wait3A_382 : memref<1x1024xf32, #tpu.memory_space<hbm>> -> memref<1024xf32, #tpu.memory_space<hbm>>
        tpu.wait_dma2 semaphore(%arg29 : memref<!tpu.dma_semaphore, #tpu.memory_space<semaphore_mem>>) src(%dma_wait3A_383 : memref<1024xf32, #tpu.memory_space<hbm>>) dst(%arg21 : memref<1024xf32, #tpu.memory_space<vmem>>)
        %dma_wait3A_384 = arith.constant 0 : i32
        %dma_wait3A_385 = arith.constant 0 : i32
        %dma_wait3A_386 = tpu.memref_slice %arg5[%dma_wait3A_384, %dma_wait3A_385] : memref<2560x1024xf32, #tpu.memory_space<hbm>> -> memref<1x1024xf32, #tpu.memory_space<hbm>>
        %dma_wait3A_387 = tpu.memref_squeeze %dma_wait3A_386 : memref<1x1024xf32, #tpu.memory_space<hbm>> -> memref<1024xf32, #tpu.memory_space<hbm>>
        %dma_wait3A_388 = arith.constant 0 : i32
        %dma_wait3A_389 = tpu.memref_slice %arg5[%dma_wait3A_384, %dma_wait3A_388] : memref<2560x1024xf32, #tpu.memory_space<hbm>> -> memref<1x1024xf32, #tpu.memory_space<hbm>>
        %dma_wait3A_390 = tpu.memref_squeeze %dma_wait3A_389 : memref<1x1024xf32, #tpu.memory_space<hbm>> -> memref<1024xf32, #tpu.memory_space<hbm>>
        tpu.wait_dma2 semaphore(%arg29 : memref<!tpu.dma_semaphore, #tpu.memory_space<semaphore_mem>>) src(%dma_wait3A_390 : memref<1024xf32, #tpu.memory_space<hbm>>) dst(%arg22 : memref<1024xf32, #tpu.memory_space<vmem>>)
        %dma_wait3A_391 = arith.constant 0 : i32
        %dma_wait3A_392 = arith.constant 0 : i32
        %dma_wait3A_393 = tpu.memref_slice %arg5[%dma_wait3A_391, %dma_wait3A_392] : memref<2560x1024xf32, #tpu.memory_space<hbm>> -> memref<1x1024xf32, #tpu.memory_space<hbm>>
        %dma_wait3A_394 = tpu.memref_squeeze %dma_wait3A_393 : memref<1x1024xf32, #tpu.memory_space<hbm>> -> memref<1024xf32, #tpu.memory_space<hbm>>
        %dma_wait3A_395 = arith.constant 0 : i32
        %dma_wait3A_396 = tpu.memref_slice %arg5[%dma_wait3A_391, %dma_wait3A_395] : memref<2560x1024xf32, #tpu.memory_space<hbm>> -> memref<1x1024xf32, #tpu.memory_space<hbm>>
        %dma_wait3A_397 = tpu.memref_squeeze %dma_wait3A_396 : memref<1x1024xf32, #tpu.memory_space<hbm>> -> memref<1024xf32, #tpu.memory_space<hbm>>
        tpu.wait_dma2 semaphore(%arg29 : memref<!tpu.dma_semaphore, #tpu.memory_space<semaphore_mem>>) src(%dma_wait3A_397 : memref<1024xf32, #tpu.memory_space<hbm>>) dst(%arg23 : memref<1024xf32, #tpu.memory_space<vmem>>)
        %dma_wait3A_398 = arith.constant 0 : i32
        %dma_wait3A_399 = arith.constant 0 : i32
        %dma_wait3A_400 = tpu.memref_slice %arg5[%dma_wait3A_398, %dma_wait3A_399] : memref<2560x1024xf32, #tpu.memory_space<hbm>> -> memref<1x1024xf32, #tpu.memory_space<hbm>>
        %dma_wait3A_401 = tpu.memref_squeeze %dma_wait3A_400 : memref<1x1024xf32, #tpu.memory_space<hbm>> -> memref<1024xf32, #tpu.memory_space<hbm>>
        %dma_wait3A_402 = arith.constant 0 : i32
        %dma_wait3A_403 = tpu.memref_slice %arg5[%dma_wait3A_398, %dma_wait3A_402] : memref<2560x1024xf32, #tpu.memory_space<hbm>> -> memref<1x1024xf32, #tpu.memory_space<hbm>>
        %dma_wait3A_404 = tpu.memref_squeeze %dma_wait3A_403 : memref<1x1024xf32, #tpu.memory_space<hbm>> -> memref<1024xf32, #tpu.memory_space<hbm>>
        tpu.wait_dma2 semaphore(%arg29 : memref<!tpu.dma_semaphore, #tpu.memory_space<semaphore_mem>>) src(%dma_wait3A_404 : memref<1024xf32, #tpu.memory_space<hbm>>) dst(%arg24 : memref<1024xf32, #tpu.memory_space<vmem>>)
        %dma_wait3A_405 = arith.constant 0 : i32
        %dma_wait3A_406 = arith.constant 0 : i32
        %dma_wait3A_407 = tpu.memref_slice %arg5[%dma_wait3A_405, %dma_wait3A_406] : memref<2560x1024xf32, #tpu.memory_space<hbm>> -> memref<1x1024xf32, #tpu.memory_space<hbm>>
        %dma_wait3A_408 = tpu.memref_squeeze %dma_wait3A_407 : memref<1x1024xf32, #tpu.memory_space<hbm>> -> memref<1024xf32, #tpu.memory_space<hbm>>
        %dma_wait3A_409 = arith.constant 0 : i32
        %dma_wait3A_410 = tpu.memref_slice %arg5[%dma_wait3A_405, %dma_wait3A_409] : memref<2560x1024xf32, #tpu.memory_space<hbm>> -> memref<1x1024xf32, #tpu.memory_space<hbm>>
        %dma_wait3A_411 = tpu.memref_squeeze %dma_wait3A_410 : memref<1x1024xf32, #tpu.memory_space<hbm>> -> memref<1024xf32, #tpu.memory_space<hbm>>
        tpu.wait_dma2 semaphore(%arg29 : memref<!tpu.dma_semaphore, #tpu.memory_space<semaphore_mem>>) src(%dma_wait3A_411 : memref<1024xf32, #tpu.memory_space<hbm>>) dst(%arg25 : memref<1024xf32, #tpu.memory_space<vmem>>)
      } else {
      }
      %parallel_loop3A_255 = arith.constant 0 : i32
      %parallel_loop3A_256 = arith.constant 64 : i32
      %parallel_loop3A_257 = arith.constant 1 : i32
      scf.for %parallel_loop3A_356 = %parallel_loop3A_255 to %parallel_loop3A_256 step %parallel_loop3A_257  : i32 {
        %parallel_loop3A_357 = arith.constant 16 : i32
        %parallel_loop3A_358 = arith.muli %parallel_loop3A_356, %parallel_loop3A_357 : i32
        %parallel_loop3A_359 = arith.index_cast %parallel_loop3A_358 : i32 to index
        %parallel_loop3A_360 = tpu.vector_load %arg18[%parallel_loop3A_359] {strides = array<i32>} : memref<1024xf32, #tpu.memory_space<vmem>>, vector<16xf32>,
        tpu.vector_store %arg18[%parallel_loop3A_359], %broadcast_in_dim3A_12 {strides = array<i32>} : memref<1024xf32, #tpu.memory_space<vmem>>, vector<16xf32>,
        %parallel_loop3A_361 = arith.constant 16 : i32
        %parallel_loop3A_362 = arith.muli %parallel_loop3A_356, %parallel_loop3A_361 : i32
        %parallel_loop3A_363 = arith.index_cast %parallel_loop3A_362 : i32 to index
        %parallel_loop3A_364 = tpu.vector_load %arg19[%parallel_loop3A_363] {strides = array<i32>} : memref<1024xf32, #tpu.memory_space<vmem>>, vector<16xf32>,
        tpu.vector_store %arg19[%parallel_loop3A_363], %broadcast_in_dim3A_12 {strides = array<i32>} : memref<1024xf32, #tpu.memory_space<vmem>>, vector<16xf32>,
        %parallel_loop3A_365 = arith.constant 16 : i32
        %parallel_loop3A_366 = arith.muli %parallel_loop3A_356, %parallel_loop3A_365 : i32
        %parallel_loop3A_367 = arith.index_cast %parallel_loop3A_366 : i32 to index
        %parallel_loop3A_368 = tpu.vector_load %arg20[%parallel_loop3A_367] {strides = array<i32>} : memref<1024xf32, #tpu.memory_space<vmem>>, vector<16xf32>,
        tpu.vector_store %arg20[%parallel_loop3A_367], %broadcast_in_dim3A_12 {strides = array<i32>} : memref<1024xf32, #tpu.memory_space<vmem>>, vector<16xf32>,
        %parallel_loop3A_369 = arith.constant 16 : i32
        %parallel_loop3A_370 = arith.muli %parallel_loop3A_356, %parallel_loop3A_369 : i32
        %parallel_loop3A_371 = arith.index_cast %parallel_loop3A_370 : i32 to index
        %parallel_loop3A_372 = tpu.vector_load %arg21[%parallel_loop3A_371] {strides = array<i32>} : memref<1024xf32, #tpu.memory_space<vmem>>, vector<16xf32>,
        tpu.vector_store %arg21[%parallel_loop3A_371], %broadcast_in_dim3A_12 {strides = array<i32>} : memref<1024xf32, #tpu.memory_space<vmem>>, vector<16xf32>,
        %parallel_loop3A_373 = arith.constant 16 : i32
        %parallel_loop3A_374 = arith.muli %parallel_loop3A_356, %parallel_loop3A_373 : i32
        %parallel_loop3A_375 = arith.index_cast %parallel_loop3A_374 : i32 to index
        %parallel_loop3A_376 = tpu.vector_load %arg22[%parallel_loop3A_375] {strides = array<i32>} : memref<1024xf32, #tpu.memory_space<vmem>>, vector<16xf32>,
        tpu.vector_store %arg22[%parallel_loop3A_375], %broadcast_in_dim3A_12 {strides = array<i32>} : memref<1024xf32, #tpu.memory_space<vmem>>, vector<16xf32>,
        %parallel_loop3A_377 = arith.constant 16 : i32
        %parallel_loop3A_378 = arith.muli %parallel_loop3A_356, %parallel_loop3A_377 : i32
        %parallel_loop3A_379 = arith.index_cast %parallel_loop3A_378 : i32 to index
        %parallel_loop3A_380 = tpu.vector_load %arg23[%parallel_loop3A_379] {strides = array<i32>} : memref<1024xf32, #tpu.memory_space<vmem>>, vector<16xf32>,
        tpu.vector_store %arg23[%parallel_loop3A_379], %broadcast_in_dim3A_12 {strides = array<i32>} : memref<1024xf32, #tpu.memory_space<vmem>>, vector<16xf32>,
        %parallel_loop3A_381 = arith.constant 16 : i32
        %parallel_loop3A_382 = arith.muli %parallel_loop3A_356, %parallel_loop3A_381 : i32
        %parallel_loop3A_383 = arith.index_cast %parallel_loop3A_382 : i32 to index
        %parallel_loop3A_384 = tpu.vector_load %arg24[%parallel_loop3A_383] {strides = array<i32>} : memref<1024xf32, #tpu.memory_space<vmem>>, vector<16xf32>,
        tpu.vector_store %arg24[%parallel_loop3A_383], %broadcast_in_dim3A_12 {strides = array<i32>} : memref<1024xf32, #tpu.memory_space<vmem>>, vector<16xf32>,
        %parallel_loop3A_385 = arith.constant 16 : i32
        %parallel_loop3A_386 = arith.muli %parallel_loop3A_356, %parallel_loop3A_385 : i32
        %parallel_loop3A_387 = arith.index_cast %parallel_loop3A_386 : i32 to index
        %parallel_loop3A_388 = tpu.vector_load %arg25[%parallel_loop3A_387] {strides = array<i32>} : memref<1024xf32, #tpu.memory_space<vmem>>, vector<16xf32>,
        tpu.vector_store %arg25[%parallel_loop3A_387], %broadcast_in_dim3A_12 {strides = array<i32>} : memref<1024xf32, #tpu.memory_space<vmem>>, vector<16xf32>,
      } {sc.loop_unroll_factor = 4 : i64, sc.parallel_access}
      %parallel_loop3A_258 = arith.constant 0 : i32
      %parallel_loop3A_259 = arith.constant 256 : i32
      %parallel_loop3A_260 = arith.constant 1 : i32
      scf.for %parallel_loop3A_356 = %parallel_loop3A_258 to %parallel_loop3A_259 step %parallel_loop3A_260  : i32 {
        %parallel_loop3A_357 = arith.constant 16 : i32
        %parallel_loop3A_358 = arith.muli %parallel_loop3A_356, %parallel_loop3A_357 : i32
        %parallel_loop3A_359 = arith.index_cast %parallel_loop3A_358 : i32 to index
        %parallel_loop3A_360 = tpu.vector_load %arg6[%parallel_loop3A_359] {strides = array<i32>} : memref<4096xi32, #tpu.memory_space<vmem>>, vector<16xi32>,
        %parallel_loop3A_361 = arith.constant 16 : i32
        %parallel_loop3A_362 = arith.muli %parallel_loop3A_356, %parallel_loop3A_361 : i32
        %parallel_loop3A_363 = arith.index_cast %parallel_loop3A_362 : i32 to index
        %parallel_loop3A_364 = tpu.vector_load %arg7[%parallel_loop3A_363] {strides = array<i32>} : memref<4096xf32, #tpu.memory_space<vmem>>, vector<16xf32>,
        %parallel_loop3A_365 = arith.constant 16 : i32
        %parallel_loop3A_366 = arith.muli %parallel_loop3A_356, %parallel_loop3A_365 : i32
        %parallel_loop3A_367 = arith.constant 0 : i32
        %parallel_loop3A_368 = arith.index_cast %parallel_loop3A_367 : i32 to index
        %parallel_loop3A_369 = arith.index_cast %parallel_loop3A_366 : i32 to index
        %parallel_loop3A_370 = tpu.vector_load %arg9[%parallel_loop3A_368, %parallel_loop3A_369] {strides = array<i32>} : memref<8x4096xf32, #tpu.memory_space<vmem>>, vector<16xf32>,
        %parallel_loop3A_371 = arith.mulf %parallel_loop3A_370, %parallel_loop3A_364 : vector<16xf32>
        tpu.vector_store_idx %arg18[%parallel_loop3A_360], %parallel_loop3A_371 {add = true} : memref<1024xf32, #tpu.memory_space<vmem>>[vector<16xi32>], vector<16xf32>,
        %parallel_loop3A_372 = arith.constant 16 : i32
        %parallel_loop3A_373 = arith.muli %parallel_loop3A_356, %parallel_loop3A_372 : i32
        %parallel_loop3A_374 = arith.constant 1 : i32
        %parallel_loop3A_375 = arith.index_cast %parallel_loop3A_374 : i32 to index
        %parallel_loop3A_376 = arith.index_cast %parallel_loop3A_373 : i32 to index
        %parallel_loop3A_377 = tpu.vector_load %arg9[%parallel_loop3A_375, %parallel_loop3A_376] {strides = array<i32>} : memref<8x4096xf32, #tpu.memory_space<vmem>>, vector<16xf32>,
        %parallel_loop3A_378 = arith.mulf %parallel_loop3A_377, %parallel_loop3A_364 : vector<16xf32>
        tpu.vector_store_idx %arg19[%parallel_loop3A_360], %parallel_loop3A_378 {add = true} : memref<1024xf32, #tpu.memory_space<vmem>>[vector<16xi32>], vector<16xf32>,
        %parallel_loop3A_379 = arith.constant 16 : i32
        %parallel_loop3A_380 = arith.muli %parallel_loop3A_356, %parallel_loop3A_379 : i32
        %parallel_loop3A_381 = arith.constant 2 : i32
        %parallel_loop3A_382 = arith.index_cast %parallel_loop3A_381 : i32 to index
        %parallel_loop3A_383 = arith.index_cast %parallel_loop3A_380 : i32 to index
        %parallel_loop3A_384 = tpu.vector_load %arg9[%parallel_loop3A_382, %parallel_loop3A_383] {strides = array<i32>} : memref<8x4096xf32, #tpu.memory_space<vmem>>, vector<16xf32>,
        %parallel_loop3A_385 = arith.mulf %parallel_loop3A_384, %parallel_loop3A_364 : vector<16xf32>
        tpu.vector_store_idx %arg20[%parallel_loop3A_360], %parallel_loop3A_385 {add = true} : memref<1024xf32, #tpu.memory_space<vmem>>[vector<16xi32>], vector<16xf32>,
        %parallel_loop3A_386 = arith.constant 16 : i32
        %parallel_loop3A_387 = arith.muli %parallel_loop3A_356, %parallel_loop3A_386 : i32
        %parallel_loop3A_388 = arith.constant 3 : i32
        %parallel_loop3A_389 = arith.index_cast %parallel_loop3A_388 : i32 to index
        %parallel_loop3A_390 = arith.index_cast %parallel_loop3A_387 : i32 to index
        %parallel_loop3A_391 = tpu.vector_load %arg9[%parallel_loop3A_389, %parallel_loop3A_390] {strides = array<i32>} : memref<8x4096xf32, #tpu.memory_space<vmem>>, vector<16xf32>,
        %parallel_loop3A_392 = arith.mulf %parallel_loop3A_391, %parallel_loop3A_364 : vector<16xf32>
        tpu.vector_store_idx %arg21[%parallel_loop3A_360], %parallel_loop3A_392 {add = true} : memref<1024xf32, #tpu.memory_space<vmem>>[vector<16xi32>], vector<16xf32>,
        %parallel_loop3A_393 = arith.constant 16 : i32
        %parallel_loop3A_394 = arith.muli %parallel_loop3A_356, %parallel_loop3A_393 : i32
        %parallel_loop3A_395 = arith.constant 4 : i32
        %parallel_loop3A_396 = arith.index_cast %parallel_loop3A_395 : i32 to index
        %parallel_loop3A_397 = arith.index_cast %parallel_loop3A_394 : i32 to index
        %parallel_loop3A_398 = tpu.vector_load %arg9[%parallel_loop3A_396, %parallel_loop3A_397] {strides = array<i32>} : memref<8x4096xf32, #tpu.memory_space<vmem>>, vector<16xf32>,
        %parallel_loop3A_399 = arith.mulf %parallel_loop3A_398, %parallel_loop3A_364 : vector<16xf32>
        tpu.vector_store_idx %arg22[%parallel_loop3A_360], %parallel_loop3A_399 {add = true} : memref<1024xf32, #tpu.memory_space<vmem>>[vector<16xi32>], vector<16xf32>,
        %parallel_loop3A_400 = arith.constant 16 : i32
        %parallel_loop3A_401 = arith.muli %parallel_loop3A_356, %parallel_loop3A_400 : i32
        %parallel_loop3A_402 = arith.constant 5 : i32
        %parallel_loop3A_403 = arith.index_cast %parallel_loop3A_402 : i32 to index
        %parallel_loop3A_404 = arith.index_cast %parallel_loop3A_401 : i32 to index
        %parallel_loop3A_405 = tpu.vector_load %arg9[%parallel_loop3A_403, %parallel_loop3A_404] {strides = array<i32>} : memref<8x4096xf32, #tpu.memory_space<vmem>>, vector<16xf32>,
        %parallel_loop3A_406 = arith.mulf %parallel_loop3A_405, %parallel_loop3A_364 : vector<16xf32>
        tpu.vector_store_idx %arg23[%parallel_loop3A_360], %parallel_loop3A_406 {add = true} : memref<1024xf32, #tpu.memory_space<vmem>>[vector<16xi32>], vector<16xf32>,
        %parallel_loop3A_407 = arith.constant 16 : i32
        %parallel_loop3A_408 = arith.muli %parallel_loop3A_356, %parallel_loop3A_407 : i32
        %parallel_loop3A_409 = arith.constant 6 : i32
        %parallel_loop3A_410 = arith.index_cast %parallel_loop3A_409 : i32 to index
        %parallel_loop3A_411 = arith.index_cast %parallel_loop3A_408 : i32 to index
        %parallel_loop3A_412 = tpu.vector_load %arg9[%parallel_loop3A_410, %parallel_loop3A_411] {strides = array<i32>} : memref<8x4096xf32, #tpu.memory_space<vmem>>, vector<16xf32>,
        %parallel_loop3A_413 = arith.mulf %parallel_loop3A_412, %parallel_loop3A_364 : vector<16xf32>
        tpu.vector_store_idx %arg24[%parallel_loop3A_360], %parallel_loop3A_413 {add = true} : memref<1024xf32, #tpu.memory_space<vmem>>[vector<16xi32>], vector<16xf32>,
        %parallel_loop3A_414 = arith.constant 16 : i32
        %parallel_loop3A_415 = arith.muli %parallel_loop3A_356, %parallel_loop3A_414 : i32
        %parallel_loop3A_416 = arith.constant 7 : i32
        %parallel_loop3A_417 = arith.index_cast %parallel_loop3A_416 : i32 to index
        %parallel_loop3A_418 = arith.index_cast %parallel_loop3A_415 : i32 to index
        %parallel_loop3A_419 = tpu.vector_load %arg9[%parallel_loop3A_417, %parallel_loop3A_418] {strides = array<i32>} : memref<8x4096xf32, #tpu.memory_space<vmem>>, vector<16xf32>,
        %parallel_loop3A_420 = arith.mulf %parallel_loop3A_419, %parallel_loop3A_364 : vector<16xf32>
        tpu.vector_store_idx %arg25[%parallel_loop3A_360], %parallel_loop3A_420 {add = true} : memref<1024xf32, #tpu.memory_space<vmem>>[vector<16xi32>], vector<16xf32>,
      } {sc.loop_unroll_factor = 4 : i64, sc.parallel_access}
      %add3A_261 = arith.constant 2 : i32
      %add3A_262 = arith.addi %add3A_243, %add3A_261 : i32
      %lt3A_263 = arith.constant 10 : i32
      %lt3A_264 = arith.cmpi slt, %add3A_262, %lt3A_263 : i32
      %convert_element_type3A_265 = arith.extui %lt3A_264 : i1 to i32
      %cond3A_266 = arith.constant 0 : i32
      %cond3A_267 = arith.cmpi ne, %convert_element_type3A_265, %cond3A_266 : i32
      scf.if %cond3A_267 {
        %add3A_356 = arith.constant 2 : i32
        %add3A_357 = arith.addi %add3A_243, %add3A_356 : i32
        %mul3A_358 = arith.constant 8 : i32
        %mul3A_359 = arith.muli %add3A_357, %mul3A_358 : i32
        %add3A_360 = arith.addi %mul3A_2, %mul3A_359 : i32
        %dma_start3A_361 = arith.constant 0 : i32
        %dma_start3A_362 = tpu.memref_slice %arg2[%add3A_360, %dma_start3A_361] : memref<4096x4096xf32, #tpu.memory_space<hbm>> -> memref<8x4096xf32, #tpu.memory_space<hbm>>
        %dma_start3A_363 = arith.constant 0 : i32
        %dma_start3A_364 = tpu.memref_slice %arg2[%add3A_360, %dma_start3A_363] : memref<4096x4096xf32, #tpu.memory_space<hbm>> -> memref<8x4096xf32, #tpu.memory_space<hbm>>
        tpu.enqueue_dma source(%dma_start3A_364 : memref<8x4096xf32, #tpu.memory_space<hbm>>) target(%arg9 : memref<8x4096xf32, #tpu.memory_space<vmem>>) target_semaphore(%arg27 : memref<!tpu.dma_semaphore, #tpu.memory_space<semaphore_mem>>)
      } else {
      }
      %mul3A_268 = arith.constant 8 : i32
      %mul3A_269 = arith.muli %add3A_243, %mul3A_268 : i32
      %add3A_270 = arith.addi %mul3A_2, %mul3A_269 : i32
      %add3A_271 = arith.constant 0 : i32
      %add3A_272 = arith.addi %add3A_270, %add3A_271 : i32
      %dma_start3A_273 = arith.constant 0 : i32
      %dma_start3A_274 = tpu.memref_slice %arg5[%add3A_272, %dma_start3A_273] : memref<2560x1024xf32, #tpu.memory_space<hbm>> -> memref<1x1024xf32, #tpu.memory_space<hbm>>
      %dma_start3A_275 = tpu.memref_squeeze %dma_start3A_274 : memref<1x1024xf32, #tpu.memory_space<hbm>> -> memref<1024xf32, #tpu.memory_space<hbm>>
      %dma_start3A_276 = arith.constant 0 : i32
      %dma_start3A_277 = tpu.memref_slice %arg5[%add3A_272, %dma_start3A_276] : memref<2560x1024xf32, #tpu.memory_space<hbm>> -> memref<1x1024xf32, #tpu.memory_space<hbm>>
      %dma_start3A_278 = tpu.memref_squeeze %dma_start3A_277 : memref<1x1024xf32, #tpu.memory_space<hbm>> -> memref<1024xf32, #tpu.memory_space<hbm>>
      tpu.enqueue_dma source(%arg18 : memref<1024xf32, #tpu.memory_space<vmem>>) target(%dma_start3A_278 : memref<1024xf32, #tpu.memory_space<hbm>>) target_semaphore(%arg29 : memref<!tpu.dma_semaphore, #tpu.memory_space<semaphore_mem>>)
      %mul3A_279 = arith.constant 8 : i32
      %mul3A_280 = arith.muli %add3A_243, %mul3A_279 : i32
      %add3A_281 = arith.addi %mul3A_2, %mul3A_280 : i32
      %add3A_282 = arith.constant 1 : i32
      %add3A_283 = arith.addi %add3A_281, %add3A_282 : i32
      %dma_start3A_284 = arith.constant 0 : i32
      %dma_start3A_285 = tpu.memref_slice %arg5[%add3A_283, %dma_start3A_284] : memref<2560x1024xf32, #tpu.memory_space<hbm>> -> memref<1x1024xf32, #tpu.memory_space<hbm>>
      %dma_start3A_286 = tpu.memref_squeeze %dma_start3A_285 : memref<1x1024xf32, #tpu.memory_space<hbm>> -> memref<1024xf32, #tpu.memory_space<hbm>>
      %dma_start3A_287 = arith.constant 0 : i32
      %dma_start3A_288 = tpu.memref_slice %arg5[%add3A_283, %dma_start3A_287] : memref<2560x1024xf32, #tpu.memory_space<hbm>> -> memref<1x1024xf32, #tpu.memory_space<hbm>>
      %dma_start3A_289 = tpu.memref_squeeze %dma_start3A_288 : memref<1x1024xf32, #tpu.memory_space<hbm>> -> memref<1024xf32, #tpu.memory_space<hbm>>
      tpu.enqueue_dma source(%arg19 : memref<1024xf32, #tpu.memory_space<vmem>>) target(%dma_start3A_289 : memref<1024xf32, #tpu.memory_space<hbm>>) target_semaphore(%arg29 : memref<!tpu.dma_semaphore, #tpu.memory_space<semaphore_mem>>)
      %mul3A_290 = arith.constant 8 : i32
      %mul3A_291 = arith.muli %add3A_243, %mul3A_290 : i32
      %add3A_292 = arith.addi %mul3A_2, %mul3A_291 : i32
      %add3A_293 = arith.constant 2 : i32
      %add3A_294 = arith.addi %add3A_292, %add3A_293 : i32
      %dma_start3A_295 = arith.constant 0 : i32
      %dma_start3A_296 = tpu.memref_slice %arg5[%add3A_294, %dma_start3A_295] : memref<2560x1024xf32, #tpu.memory_space<hbm>> -> memref<1x1024xf32, #tpu.memory_space<hbm>>
      %dma_start3A_297 = tpu.memref_squeeze %dma_start3A_296 : memref<1x1024xf32, #tpu.memory_space<hbm>> -> memref<1024xf32, #tpu.memory_space<hbm>>
      %dma_start3A_298 = arith.constant 0 : i32
      %dma_start3A_299 = tpu.memref_slice %arg5[%add3A_294, %dma_start3A_298] : memref<2560x1024xf32, #tpu.memory_space<hbm>> -> memref<1x1024xf32, #tpu.memory_space<hbm>>
      %dma_start3A_300 = tpu.memref_squeeze %dma_start3A_299 : memref<1x1024xf32, #tpu.memory_space<hbm>> -> memref<1024xf32, #tpu.memory_space<hbm>>
      tpu.enqueue_dma source(%arg20 : memref<1024xf32, #tpu.memory_space<vmem>>) target(%dma_start3A_300 : memref<1024xf32, #tpu.memory_space<hbm>>) target_semaphore(%arg29 : memref<!tpu.dma_semaphore, #tpu.memory_space<semaphore_mem>>)
      %mul3A_301 = arith.constant 8 : i32
      %mul3A_302 = arith.muli %add3A_243, %mul3A_301 : i32
      %add3A_303 = arith.addi %mul3A_2, %mul3A_302 : i32
      %add3A_304 = arith.constant 3 : i32
      %add3A_305 = arith.addi %add3A_303, %add3A_304 : i32
      %dma_start3A_306 = arith.constant 0 : i32
      %dma_start3A_307 = tpu.memref_slice %arg5[%add3A_305, %dma_start3A_306] : memref<2560x1024xf32, #tpu.memory_space<hbm>> -> memref<1x1024xf32, #tpu.memory_space<hbm>>
      %dma_start3A_308 = tpu.memref_squeeze %dma_start3A_307 : memref<1x1024xf32, #tpu.memory_space<hbm>> -> memref<1024xf32, #tpu.memory_space<hbm>>
      %dma_start3A_309 = arith.constant 0 : i32
      %dma_start3A_310 = tpu.memref_slice %arg5[%add3A_305, %dma_start3A_309] : memref<2560x1024xf32, #tpu.memory_space<hbm>> -> memref<1x1024xf32, #tpu.memory_space<hbm>>
      %dma_start3A_311 = tpu.memref_squeeze %dma_start3A_310 : memref<1x1024xf32, #tpu.memory_space<hbm>> -> memref<1024xf32, #tpu.memory_space<hbm>>
      tpu.enqueue_dma source(%arg21 : memref<1024xf32, #tpu.memory_space<vmem>>) target(%dma_start3A_311 : memref<1024xf32, #tpu.memory_space<hbm>>) target_semaphore(%arg29 : memref<!tpu.dma_semaphore, #tpu.memory_space<semaphore_mem>>)
      %mul3A_312 = arith.constant 8 : i32
      %mul3A_313 = arith.muli %add3A_243, %mul3A_312 : i32
      %add3A_314 = arith.addi %mul3A_2, %mul3A_313 : i32
      %add3A_315 = arith.constant 4 : i32
      %add3A_316 = arith.addi %add3A_314, %add3A_315 : i32
      %dma_start3A_317 = arith.constant 0 : i32
      %dma_start3A_318 = tpu.memref_slice %arg5[%add3A_316, %dma_start3A_317] : memref<2560x1024xf32, #tpu.memory_space<hbm>> -> memref<1x1024xf32, #tpu.memory_space<hbm>>
      %dma_start3A_319 = tpu.memref_squeeze %dma_start3A_318 : memref<1x1024xf32, #tpu.memory_space<hbm>> -> memref<1024xf32, #tpu.memory_space<hbm>>
      %dma_start3A_320 = arith.constant 0 : i32
      %dma_start3A_321 = tpu.memref_slice %arg5[%add3A_316, %dma_start3A_320] : memref<2560x1024xf32, #tpu.memory_space<hbm>> -> memref<1x1024xf32, #tpu.memory_space<hbm>>
      %dma_start3A_322 = tpu.memref_squeeze %dma_start3A_321 : memref<1x1024xf32, #tpu.memory_space<hbm>> -> memref<1024xf32, #tpu.memory_space<hbm>>
      tpu.enqueue_dma source(%arg22 : memref<1024xf32, #tpu.memory_space<vmem>>) target(%dma_start3A_322 : memref<1024xf32, #tpu.memory_space<hbm>>) target_semaphore(%arg29 : memref<!tpu.dma_semaphore, #tpu.memory_space<semaphore_mem>>)
      %mul3A_323 = arith.constant 8 : i32
      %mul3A_324 = arith.muli %add3A_243, %mul3A_323 : i32
      %add3A_325 = arith.addi %mul3A_2, %mul3A_324 : i32
      %add3A_326 = arith.constant 5 : i32
      %add3A_327 = arith.addi %add3A_325, %add3A_326 : i32
      %dma_start3A_328 = arith.constant 0 : i32
      %dma_start3A_329 = tpu.memref_slice %arg5[%add3A_327, %dma_start3A_328] : memref<2560x1024xf32, #tpu.memory_space<hbm>> -> memref<1x1024xf32, #tpu.memory_space<hbm>>
      %dma_start3A_330 = tpu.memref_squeeze %dma_start3A_329 : memref<1x1024xf32, #tpu.memory_space<hbm>> -> memref<1024xf32, #tpu.memory_space<hbm>>
      %dma_start3A_331 = arith.constant 0 : i32
      %dma_start3A_332 = tpu.memref_slice %arg5[%add3A_327, %dma_start3A_331] : memref<2560x1024xf32, #tpu.memory_space<hbm>> -> memref<1x1024xf32, #tpu.memory_space<hbm>>
      %dma_start3A_333 = tpu.memref_squeeze %dma_start3A_332 : memref<1x1024xf32, #tpu.memory_space<hbm>> -> memref<1024xf32, #tpu.memory_space<hbm>>
      tpu.enqueue_dma source(%arg23 : memref<1024xf32, #tpu.memory_space<vmem>>) target(%dma_start3A_333 : memref<1024xf32, #tpu.memory_space<hbm>>) target_semaphore(%arg29 : memref<!tpu.dma_semaphore, #tpu.memory_space<semaphore_mem>>)
      %mul3A_334 = arith.constant 8 : i32
      %mul3A_335 = arith.muli %add3A_243, %mul3A_334 : i32
      %add3A_336 = arith.addi %mul3A_2, %mul3A_335 : i32
      %add3A_337 = arith.constant 6 : i32
      %add3A_338 = arith.addi %add3A_336, %add3A_337 : i32
      %dma_start3A_339 = arith.constant 0 : i32
      %dma_start3A_340 = tpu.memref_slice %arg5[%add3A_338, %dma_start3A_339] : memref<2560x1024xf32, #tpu.memory_space<hbm>> -> memref<1x1024xf32, #tpu.memory_space<hbm>>
      %dma_start3A_341 = tpu.memref_squeeze %dma_start3A_340 : memref<1x1024xf32, #tpu.memory_space<hbm>> -> memref<1024xf32, #tpu.memory_space<hbm>>
      %dma_start3A_342 = arith.constant 0 : i32
      %dma_start3A_343 = tpu.memref_slice %arg5[%add3A_338, %dma_start3A_342] : memref<2560x1024xf32, #tpu.memory_space<hbm>> -> memref<1x1024xf32, #tpu.memory_space<hbm>>
      %dma_start3A_344 = tpu.memref_squeeze %dma_start3A_343 : memref<1x1024xf32, #tpu.memory_space<hbm>> -> memref<1024xf32, #tpu.memory_space<hbm>>
      tpu.enqueue_dma source(%arg24 : memref<1024xf32, #tpu.memory_space<vmem>>) target(%dma_start3A_344 : memref<1024xf32, #tpu.memory_space<hbm>>) target_semaphore(%arg29 : memref<!tpu.dma_semaphore, #tpu.memory_space<semaphore_mem>>)
      %mul3A_345 = arith.constant 8 : i32
      %mul3A_346 = arith.muli %add3A_243, %mul3A_345 : i32
      %add3A_347 = arith.addi %mul3A_2, %mul3A_346 : i32
      %add3A_348 = arith.constant 7 : i32
      %add3A_349 = arith.addi %add3A_347, %add3A_348 : i32
      %dma_start3A_350 = arith.constant 0 : i32
      %dma_start3A_351 = tpu.memref_slice %arg5[%add3A_349, %dma_start3A_350] : memref<2560x1024xf32, #tpu.memory_space<hbm>> -> memref<1x1024xf32, #tpu.memory_space<hbm>>
      %dma_start3A_352 = tpu.memref_squeeze %dma_start3A_351 : memref<1x1024xf32, #tpu.memory_space<hbm>> -> memref<1024xf32, #tpu.memory_space<hbm>>
      %dma_start3A_353 = arith.constant 0 : i32
      %dma_start3A_354 = tpu.memref_slice %arg5[%add3A_349, %dma_start3A_353] : memref<2560x1024xf32, #tpu.memory_space<hbm>> -> memref<1x1024xf32, #tpu.memory_space<hbm>>
      %dma_start3A_355 = tpu.memref_squeeze %dma_start3A_354 : memref<1x1024xf32, #tpu.memory_space<hbm>> -> memref<1024xf32, #tpu.memory_space<hbm>>
      tpu.enqueue_dma source(%arg25 : memref<1024xf32, #tpu.memory_space<vmem>>) target(%dma_start3A_355 : memref<1024xf32, #tpu.memory_space<hbm>>) target_semaphore(%arg29 : memref<!tpu.dma_semaphore, #tpu.memory_space<semaphore_mem>>)
    }
    %scan3A_16 = arith.constant 5 : i32
    %dma_wait3A = arith.constant 0 : i32
    %dma_wait3A_17 = arith.constant 0 : i32
    %dma_wait3A_18 = tpu.memref_slice %arg5[%dma_wait3A, %dma_wait3A_17] : memref<2560x1024xf32, #tpu.memory_space<hbm>> -> memref<1x1024xf32, #tpu.memory_space<hbm>>
    %dma_wait3A_19 = tpu.memref_squeeze %dma_wait3A_18 : memref<1x1024xf32, #tpu.memory_space<hbm>> -> memref<1024xf32, #tpu.memory_space<hbm>>
    %dma_wait3A_20 = arith.constant 0 : i32
    %dma_wait3A_21 = tpu.memref_slice %arg5[%dma_wait3A, %dma_wait3A_20] : memref<2560x1024xf32, #tpu.memory_space<hbm>> -> memref<1x1024xf32, #tpu.memory_space<hbm>>
    %dma_wait3A_22 = tpu.memref_squeeze %dma_wait3A_21 : memref<1x1024xf32, #tpu.memory_space<hbm>> -> memref<1024xf32, #tpu.memory_space<hbm>>
    tpu.wait_dma2 semaphore(%arg28 : memref<!tpu.dma_semaphore, #tpu.memory_space<semaphore_mem>>) src(%dma_wait3A_22 : memref<1024xf32, #tpu.memory_space<hbm>>) dst(%arg10 : memref<1024xf32, #tpu.memory_space<vmem>>)
    %dma_wait3A_23 = arith.constant 0 : i32
    %dma_wait3A_24 = arith.constant 0 : i32
    %dma_wait3A_25 = tpu.memref_slice %arg5[%dma_wait3A_23, %dma_wait3A_24] : memref<2560x1024xf32, #tpu.memory_space<hbm>> -> memref<1x1024xf32, #tpu.memory_space<hbm>>
    %dma_wait3A_26 = tpu.memref_squeeze %dma_wait3A_25 : memref<1x1024xf32, #tpu.memory_space<hbm>> -> memref<1024xf32, #tpu.memory_space<hbm>>
    %dma_wait3A_27 = arith.constant 0 : i32
    %dma_wait3A_28 = tpu.memref_slice %arg5[%dma_wait3A_23, %dma_wait3A_27] : memref<2560x1024xf32, #tpu.memory_space<hbm>> -> memref<1x1024xf32, #tpu.memory_space<hbm>>
    %dma_wait3A_29 = tpu.memref_squeeze %dma_wait3A_28 : memref<1x1024xf32, #tpu.memory_space<hbm>> -> memref<1024xf32, #tpu.memory_space<hbm>>
    tpu.wait_dma2 semaphore(%arg28 : memref<!tpu.dma_semaphore, #tpu.memory_space<semaphore_mem>>) src(%dma_wait3A_29 : memref<1024xf32, #tpu.memory_space<hbm>>) dst(%arg11 : memref<1024xf32, #tpu.memory_space<vmem>>)
    %dma_wait3A_30 = arith.constant 0 : i32
    %dma_wait3A_31 = arith.constant 0 : i32
    %dma_wait3A_32 = tpu.memref_slice %arg5[%dma_wait3A_30, %dma_wait3A_31] : memref<2560x1024xf32, #tpu.memory_space<hbm>> -> memref<1x1024xf32, #tpu.memory_space<hbm>>
    %dma_wait3A_33 = tpu.memref_squeeze %dma_wait3A_32 : memref<1x1024xf32, #tpu.memory_space<hbm>> -> memref<1024xf32, #tpu.memory_space<hbm>>
    %dma_wait3A_34 = arith.constant 0 : i32
    %dma_wait3A_35 = tpu.memref_slice %arg5[%dma_wait3A_30, %dma_wait3A_34] : memref<2560x1024xf32, #tpu.memory_space<hbm>> -> memref<1x1024xf32, #tpu.memory_space<hbm>>
    %dma_wait3A_36 = tpu.memref_squeeze %dma_wait3A_35 : memref<1x1024xf32, #tpu.memory_space<hbm>> -> memref<1024xf32, #tpu.memory_space<hbm>>
    tpu.wait_dma2 semaphore(%arg28 : memref<!tpu.dma_semaphore, #tpu.memory_space<semaphore_mem>>) src(%dma_wait3A_36 : memref<1024xf32, #tpu.memory_space<hbm>>) dst(%arg12 : memref<1024xf32, #tpu.memory_space<vmem>>)
    %dma_wait3A_37 = arith.constant 0 : i32
    %dma_wait3A_38 = arith.constant 0 : i32
    %dma_wait3A_39 = tpu.memref_slice %arg5[%dma_wait3A_37, %dma_wait3A_38] : memref<2560x1024xf32, #tpu.memory_space<hbm>> -> memref<1x1024xf32, #tpu.memory_space<hbm>>
    %dma_wait3A_40 = tpu.memref_squeeze %dma_wait3A_39 : memref<1x1024xf32, #tpu.memory_space<hbm>> -> memref<1024xf32, #tpu.memory_space<hbm>>
    %dma_wait3A_41 = arith.constant 0 : i32
    %dma_wait3A_42 = tpu.memref_slice %arg5[%dma_wait3A_37, %dma_wait3A_41] : memref<2560x1024xf32, #tpu.memory_space<hbm>> -> memref<1x1024xf32, #tpu.memory_space<hbm>>
    %dma_wait3A_43 = tpu.memref_squeeze %dma_wait3A_42 : memref<1x1024xf32, #tpu.memory_space<hbm>> -> memref<1024xf32, #tpu.memory_space<hbm>>
    tpu.wait_dma2 semaphore(%arg28 : memref<!tpu.dma_semaphore, #tpu.memory_space<semaphore_mem>>) src(%dma_wait3A_43 : memref<1024xf32, #tpu.memory_space<hbm>>) dst(%arg13 : memref<1024xf32, #tpu.memory_space<vmem>>)
    %dma_wait3A_44 = arith.constant 0 : i32
    %dma_wait3A_45 = arith.constant 0 : i32
    %dma_wait3A_46 = tpu.memref_slice %arg5[%dma_wait3A_44, %dma_wait3A_45] : memref<2560x1024xf32, #tpu.memory_space<hbm>> -> memref<1x1024xf32, #tpu.memory_space<hbm>>
    %dma_wait3A_47 = tpu.memref_squeeze %dma_wait3A_46 : memref<1x1024xf32, #tpu.memory_space<hbm>> -> memref<1024xf32, #tpu.memory_space<hbm>>
    %dma_wait3A_48 = arith.constant 0 : i32
    %dma_wait3A_49 = tpu.memref_slice %arg5[%dma_wait3A_44, %dma_wait3A_48] : memref<2560x1024xf32, #tpu.memory_space<hbm>> -> memref<1x1024xf32, #tpu.memory_space<hbm>>
    %dma_wait3A_50 = tpu.memref_squeeze %dma_wait3A_49 : memref<1x1024xf32, #tpu.memory_space<hbm>> -> memref<1024xf32, #tpu.memory_space<hbm>>
    tpu.wait_dma2 semaphore(%arg28 : memref<!tpu.dma_semaphore, #tpu.memory_space<semaphore_mem>>) src(%dma_wait3A_50 : memref<1024xf32, #tpu.memory_space<hbm>>) dst(%arg14 : memref<1024xf32, #tpu.memory_space<vmem>>)
    %dma_wait3A_51 = arith.constant 0 : i32
    %dma_wait3A_52 = arith.constant 0 : i32
    %dma_wait3A_53 = tpu.memref_slice %arg5[%dma_wait3A_51, %dma_wait3A_52] : memref<2560x1024xf32, #tpu.memory_space<hbm>> -> memref<1x1024xf32, #tpu.memory_space<hbm>>
    %dma_wait3A_54 = tpu.memref_squeeze %dma_wait3A_53 : memref<1x1024xf32, #tpu.memory_space<hbm>> -> memref<1024xf32, #tpu.memory_space<hbm>>
    %dma_wait3A_55 = arith.constant 0 : i32
    %dma_wait3A_56 = tpu.memref_slice %arg5[%dma_wait3A_51, %dma_wait3A_55] : memref<2560x1024xf32, #tpu.memory_space<hbm>> -> memref<1x1024xf32, #tpu.memory_space<hbm>>
    %dma_wait3A_57 = tpu.memref_squeeze %dma_wait3A_56 : memref<1x1024xf32, #tpu.memory_space<hbm>> -> memref<1024xf32, #tpu.memory_space<hbm>>
    tpu.wait_dma2 semaphore(%arg28 : memref<!tpu.dma_semaphore, #tpu.memory_space<semaphore_mem>>) src(%dma_wait3A_57 : memref<1024xf32, #tpu.memory_space<hbm>>) dst(%arg15 : memref<1024xf32, #tpu.memory_space<vmem>>)
    %dma_wait3A_58 = arith.constant 0 : i32
    %dma_wait3A_59 = arith.constant 0 : i32
    %dma_wait3A_60 = tpu.memref_slice %arg5[%dma_wait3A_58, %dma_wait3A_59] : memref<2560x1024xf32, #tpu.memory_space<hbm>> -> memref<1x1024xf32, #tpu.memory_space<hbm>>
    %dma_wait3A_61 = tpu.memref_squeeze %dma_wait3A_60 : memref<1x1024xf32, #tpu.memory_space<hbm>> -> memref<1024xf32, #tpu.memory_space<hbm>>
    %dma_wait3A_62 = arith.constant 0 : i32
    %dma_wait3A_63 = tpu.memref_slice %arg5[%dma_wait3A_58, %dma_wait3A_62] : memref<2560x1024xf32, #tpu.memory_space<hbm>> -> memref<1x1024xf32, #tpu.memory_space<hbm>>
    %dma_wait3A_64 = tpu.memref_squeeze %dma_wait3A_63 : memref<1x1024xf32, #tpu.memory_space<hbm>> -> memref<1024xf32, #tpu.memory_space<hbm>>
    tpu.wait_dma2 semaphore(%arg28 : memref<!tpu.dma_semaphore, #tpu.memory_space<semaphore_mem>>) src(%dma_wait3A_64 : memref<1024xf32, #tpu.memory_space<hbm>>) dst(%arg16 : memref<1024xf32, #tpu.memory_space<vmem>>)
    %dma_wait3A_65 = arith.constant 0 : i32
    %dma_wait3A_66 = arith.constant 0 : i32
    %dma_wait3A_67 = tpu.memref_slice %arg5[%dma_wait3A_65, %dma_wait3A_66] : memref<2560x1024xf32, #tpu.memory_space<hbm>> -> memref<1x1024xf32, #tpu.memory_space<hbm>>
    %dma_wait3A_68 = tpu.memref_squeeze %dma_wait3A_67 : memref<1x1024xf32, #tpu.memory_space<hbm>> -> memref<1024xf32, #tpu.memory_space<hbm>>
    %dma_wait3A_69 = arith.constant 0 : i32
    %dma_wait3A_70 = tpu.memref_slice %arg5[%dma_wait3A_65, %dma_wait3A_69] : memref<2560x1024xf32, #tpu.memory_space<hbm>> -> memref<1x1024xf32, #tpu.memory_space<hbm>>
    %dma_wait3A_71 = tpu.memref_squeeze %dma_wait3A_70 : memref<1x1024xf32, #tpu.memory_space<hbm>> -> memref<1024xf32, #tpu.memory_space<hbm>>
    tpu.wait_dma2 semaphore(%arg28 : memref<!tpu.dma_semaphore, #tpu.memory_space<semaphore_mem>>) src(%dma_wait3A_71 : memref<1024xf32, #tpu.memory_space<hbm>>) dst(%arg17 : memref<1024xf32, #tpu.memory_space<vmem>>)
    %dma_wait3A_72 = arith.constant 0 : i32
    %dma_wait3A_73 = arith.constant 0 : i32
    %dma_wait3A_74 = tpu.memref_slice %arg5[%dma_wait3A_72, %dma_wait3A_73] : memref<2560x1024xf32, #tpu.memory_space<hbm>> -> memref<1x1024xf32, #tpu.memory_space<hbm>>
    %dma_wait3A_75 = tpu.memref_squeeze %dma_wait3A_74 : memref<1x1024xf32, #tpu.memory_space<hbm>> -> memref<1024xf32, #tpu.memory_space<hbm>>
    %dma_wait3A_76 = arith.constant 0 : i32
    %dma_wait3A_77 = tpu.memref_slice %arg5[%dma_wait3A_72, %dma_wait3A_76] : memref<2560x1024xf32, #tpu.memory_space<hbm>> -> memref<1x1024xf32, #tpu.memory_space<hbm>>
    %dma_wait3A_78 = tpu.memref_squeeze %dma_wait3A_77 : memref<1x1024xf32, #tpu.memory_space<hbm>> -> memref<1024xf32, #tpu.memory_space<hbm>>
    tpu.wait_dma2 semaphore(%arg29 : memref<!tpu.dma_semaphore, #tpu.memory_space<semaphore_mem>>) src(%dma_wait3A_78 : memref<1024xf32, #tpu.memory_space<hbm>>) dst(%arg18 : memref<1024xf32, #tpu.memory_space<vmem>>)
    %dma_wait3A_79 = arith.constant 0 : i32
    %dma_wait3A_80 = arith.constant 0 : i32
    %dma_wait3A_81 = tpu.memref_slice %arg5[%dma_wait3A_79, %dma_wait3A_80] : memref<2560x1024xf32, #tpu.memory_space<hbm>> -> memref<1x1024xf32, #tpu.memory_space<hbm>>
    %dma_wait3A_82 = tpu.memref_squeeze %dma_wait3A_81 : memref<1x1024xf32, #tpu.memory_space<hbm>> -> memref<1024xf32, #tpu.memory_space<hbm>>
    %dma_wait3A_83 = arith.constant 0 : i32
    %dma_wait3A_84 = tpu.memref_slice %arg5[%dma_wait3A_79, %dma_wait3A_83] : memref<2560x1024xf32, #tpu.memory_space<hbm>> -> memref<1x1024xf32, #tpu.memory_space<hbm>>
    %dma_wait3A_85 = tpu.memref_squeeze %dma_wait3A_84 : memref<1x1024xf32, #tpu.memory_space<hbm>> -> memref<1024xf32, #tpu.memory_space<hbm>>
    tpu.wait_dma2 semaphore(%arg29 : memref<!tpu.dma_semaphore, #tpu.memory_space<semaphore_mem>>) src(%dma_wait3A_85 : memref<1024xf32, #tpu.memory_space<hbm>>) dst(%arg19 : memref<1024xf32, #tpu.memory_space<vmem>>)
    %dma_wait3A_86 = arith.constant 0 : i32
    %dma_wait3A_87 = arith.constant 0 : i32
    %dma_wait3A_88 = tpu.memref_slice %arg5[%dma_wait3A_86, %dma_wait3A_87] : memref<2560x1024xf32, #tpu.memory_space<hbm>> -> memref<1x1024xf32, #tpu.memory_space<hbm>>
    %dma_wait3A_89 = tpu.memref_squeeze %dma_wait3A_88 : memref<1x1024xf32, #tpu.memory_space<hbm>> -> memref<1024xf32, #tpu.memory_space<hbm>>
    %dma_wait3A_90 = arith.constant 0 : i32
    %dma_wait3A_91 = tpu.memref_slice %arg5[%dma_wait3A_86, %dma_wait3A_90] : memref<2560x1024xf32, #tpu.memory_space<hbm>> -> memref<1x1024xf32, #tpu.memory_space<hbm>>
    %dma_wait3A_92 = tpu.memref_squeeze %dma_wait3A_91 : memref<1x1024xf32, #tpu.memory_space<hbm>> -> memref<1024xf32, #tpu.memory_space<hbm>>
    tpu.wait_dma2 semaphore(%arg29 : memref<!tpu.dma_semaphore, #tpu.memory_space<semaphore_mem>>) src(%dma_wait3A_92 : memref<1024xf32, #tpu.memory_space<hbm>>) dst(%arg20 : memref<1024xf32, #tpu.memory_space<vmem>>)
    %dma_wait3A_93 = arith.constant 0 : i32
    %dma_wait3A_94 = arith.constant 0 : i32
    %dma_wait3A_95 = tpu.memref_slice %arg5[%dma_wait3A_93, %dma_wait3A_94] : memref<2560x1024xf32, #tpu.memory_space<hbm>> -> memref<1x1024xf32, #tpu.memory_space<hbm>>
    %dma_wait3A_96 = tpu.memref_squeeze %dma_wait3A_95 : memref<1x1024xf32, #tpu.memory_space<hbm>> -> memref<1024xf32, #tpu.memory_space<hbm>>
    %dma_wait3A_97 = arith.constant 0 : i32
    %dma_wait3A_98 = tpu.memref_slice %arg5[%dma_wait3A_93, %dma_wait3A_97] : memref<2560x1024xf32, #tpu.memory_space<hbm>> -> memref<1x1024xf32, #tpu.memory_space<hbm>>
    %dma_wait3A_99 = tpu.memref_squeeze %dma_wait3A_98 : memref<1x1024xf32, #tpu.memory_space<hbm>> -> memref<1024xf32, #tpu.memory_space<hbm>>
    tpu.wait_dma2 semaphore(%arg29 : memref<!tpu.dma_semaphore, #tpu.memory_space<semaphore_mem>>) src(%dma_wait3A_99 : memref<1024xf32, #tpu.memory_space<hbm>>) dst(%arg21 : memref<1024xf32, #tpu.memory_space<vmem>>)
    %dma_wait3A_100 = arith.constant 0 : i32
    %dma_wait3A_101 = arith.constant 0 : i32
    %dma_wait3A_102 = tpu.memref_slice %arg5[%dma_wait3A_100, %dma_wait3A_101] : memref<2560x1024xf32, #tpu.memory_space<hbm>> -> memref<1x1024xf32, #tpu.memory_space<hbm>>
    %dma_wait3A_103 = tpu.memref_squeeze %dma_wait3A_102 : memref<1x1024xf32, #tpu.memory_space<hbm>> -> memref<1024xf32, #tpu.memory_space<hbm>>
    %dma_wait3A_104 = arith.constant 0 : i32
    %dma_wait3A_105 = tpu.memref_slice %arg5[%dma_wait3A_100, %dma_wait3A_104] : memref<2560x1024xf32, #tpu.memory_space<hbm>> -> memref<1x1024xf32, #tpu.memory_space<hbm>>
    %dma_wait3A_106 = tpu.memref_squeeze %dma_wait3A_105 : memref<1x1024xf32, #tpu.memory_space<hbm>> -> memref<1024xf32, #tpu.memory_space<hbm>>
    tpu.wait_dma2 semaphore(%arg29 : memref<!tpu.dma_semaphore, #tpu.memory_space<semaphore_mem>>) src(%dma_wait3A_106 : memref<1024xf32, #tpu.memory_space<hbm>>) dst(%arg22 : memref<1024xf32, #tpu.memory_space<vmem>>)
    %dma_wait3A_107 = arith.constant 0 : i32
    %dma_wait3A_108 = arith.constant 0 : i32
    %dma_wait3A_109 = tpu.memref_slice %arg5[%dma_wait3A_107, %dma_wait3A_108] : memref<2560x1024xf32, #tpu.memory_space<hbm>> -> memref<1x1024xf32, #tpu.memory_space<hbm>>
    %dma_wait3A_110 = tpu.memref_squeeze %dma_wait3A_109 : memref<1x1024xf32, #tpu.memory_space<hbm>> -> memref<1024xf32, #tpu.memory_space<hbm>>
    %dma_wait3A_111 = arith.constant 0 : i32
    %dma_wait3A_112 = tpu.memref_slice %arg5[%dma_wait3A_107, %dma_wait3A_111] : memref<2560x1024xf32, #tpu.memory_space<hbm>> -> memref<1x1024xf32, #tpu.memory_space<hbm>>
    %dma_wait3A_113 = tpu.memref_squeeze %dma_wait3A_112 : memref<1x1024xf32, #tpu.memory_space<hbm>> -> memref<1024xf32, #tpu.memory_space<hbm>>
    tpu.wait_dma2 semaphore(%arg29 : memref<!tpu.dma_semaphore, #tpu.memory_space<semaphore_mem>>) src(%dma_wait3A_113 : memref<1024xf32, #tpu.memory_space<hbm>>) dst(%arg23 : memref<1024xf32, #tpu.memory_space<vmem>>)
    %dma_wait3A_114 = arith.constant 0 : i32
    %dma_wait3A_115 = arith.constant 0 : i32
    %dma_wait3A_116 = tpu.memref_slice %arg5[%dma_wait3A_114, %dma_wait3A_115] : memref<2560x1024xf32, #tpu.memory_space<hbm>> -> memref<1x1024xf32, #tpu.memory_space<hbm>>
    %dma_wait3A_117 = tpu.memref_squeeze %dma_wait3A_116 : memref<1x1024xf32, #tpu.memory_space<hbm>> -> memref<1024xf32, #tpu.memory_space<hbm>>
    %dma_wait3A_118 = arith.constant 0 : i32
    %dma_wait3A_119 = tpu.memref_slice %arg5[%dma_wait3A_114, %dma_wait3A_118] : memref<2560x1024xf32, #tpu.memory_space<hbm>> -> memref<1x1024xf32, #tpu.memory_space<hbm>>
    %dma_wait3A_120 = tpu.memref_squeeze %dma_wait3A_119 : memref<1x1024xf32, #tpu.memory_space<hbm>> -> memref<1024xf32, #tpu.memory_space<hbm>>
    tpu.wait_dma2 semaphore(%arg29 : memref<!tpu.dma_semaphore, #tpu.memory_space<semaphore_mem>>) src(%dma_wait3A_120 : memref<1024xf32, #tpu.memory_space<hbm>>) dst(%arg24 : memref<1024xf32, #tpu.memory_space<vmem>>)
    %dma_wait3A_121 = arith.constant 0 : i32
    %dma_wait3A_122 = arith.constant 0 : i32
    %dma_wait3A_123 = tpu.memref_slice %arg5[%dma_wait3A_121, %dma_wait3A_122] : memref<2560x1024xf32, #tpu.memory_space<hbm>> -> memref<1x1024xf32, #tpu.memory_space<hbm>>
    %dma_wait3A_124 = tpu.memref_squeeze %dma_wait3A_123 : memref<1x1024xf32, #tpu.memory_space<hbm>> -> memref<1024xf32, #tpu.memory_space<hbm>>
    %dma_wait3A_125 = arith.constant 0 : i32
    %dma_wait3A_126 = tpu.memref_slice %arg5[%dma_wait3A_121, %dma_wait3A_125] : memref<2560x1024xf32, #tpu.memory_space<hbm>> -> memref<1x1024xf32, #tpu.memory_space<hbm>>
    %dma_wait3A_127 = tpu.memref_squeeze %dma_wait3A_126 : memref<1x1024xf32, #tpu.memory_space<hbm>> -> memref<1024xf32, #tpu.memory_space<hbm>>
    tpu.wait_dma2 semaphore(%arg29 : memref<!tpu.dma_semaphore, #tpu.memory_space<semaphore_mem>>) src(%dma_wait3A_127 : memref<1024xf32, #tpu.memory_space<hbm>>) dst(%arg25 : memref<1024xf32, #tpu.memory_space<vmem>>)
    return
  }
}

module attributes {stable_mosaic.version = 14 : i64} {
  func.func @_tc_body(%arg0: i32, %arg1: i32, %arg2: memref<1x1x512xi32, #tpu.memory_space<vmem>>, %arg3: memref<1x1x512xf32, #tpu.memory_space<vmem>>, %arg4: memref<256x512xf32, #tpu.memory_space<vmem>>, %arg5: memref<256x1024xf32, #tpu.memory_space<vmem>>) attributes {dimension_semantics = [#tpu.dimension_semantics<parallel>, #tpu.dimension_semantics<arbitrary>], iteration_bounds = array<i64: 6, 8>, scalar_prefetch = 0 : i64, scratch_operands = 0 : i64, tpu.core_type = #tpu.core_type<tc>, window_params = [{transform_indices = @transform_0, window_bounds = array<i64: 1, 1, 512>}, {transform_indices = @transform_1, window_bounds = array<i64: 1, 1, 512>}, {transform_indices = @transform_2, window_bounds = array<i64: 256, 512>}, {transform_indices = @transform_3, window_bounds = array<i64: 256, 1024>}]} {
    %get3A = arith.constant 0 : index
    %get3A_0 = arith.constant 0 : index
    %get3A_1 = arith.constant 0 : index
    %get3A_2 = vector.load %arg2[%get3A, %get3A_0, %get3A_1] : memref<1x1x512xi32, #tpu.memory_space<vmem>>, vector<1x1x512xi32>
    %get3A_3 = vector.shape_cast %get3A_2 : vector<1x1x512xi32> to vector<512xi32>
    %get3A_4 = arith.constant 0 : index
    %get3A_5 = arith.constant 0 : index
    %get3A_6 = arith.constant 0 : index
    %get3A_7 = vector.load %arg3[%get3A_4, %get3A_5, %get3A_6] : memref<1x1x512xf32, #tpu.memory_space<vmem>>, vector<1x1x512xf32>
    %get3A_8 = vector.shape_cast %get3A_7 : vector<1x1x512xf32> to vector<512xf32>
    %iota3A = tpu.iota {dimensions = array<i32: 1>} : vector<512x1024xi32>
    %broadcast_in_dim3A = vector.shape_cast %get3A_3 : vector<512xi32> to vector<512x1xi32>
    %eq3A = vector.broadcast %broadcast_in_dim3A : vector<512x1xi32> to vector<512x1024xi32>
    %eq3A_9 = arith.cmpi eq, %eq3A, %iota3A : vector<512x1024xi32>
    %broadcast_in_dim3A_10 = vector.shape_cast %get3A_8 : vector<512xf32> to vector<512x1xf32>
    %jit3A = arith.constant 0.000000e+00 : f32
    %broadcast_in_dim3A_11 = vector.shape_cast %broadcast_in_dim3A_10 : vector<512x1xf32> to vector<512x1xf32>
    %broadcast_in_dim3A_12 = vector.broadcast %broadcast_in_dim3A_11 : vector<512x1xf32> to vector<512x1024xf32>
    %broadcast_in_dim3A_13 = vector.broadcast %jit3A : f32 to vector<512x1024xf32>
    %select_n3A = arith.select %eq3A_9, %broadcast_in_dim3A_12, %broadcast_in_dim3A_13 : vector<512x1024xi1>, vector<512x1024xf32>
    %convert_element_type3A = arith.truncf %select_n3A : vector<512x1024xf32> to vector<512x1024xbf16>
    %get3A_14 = arith.constant 0 : index
    %get3A_15 = arith.constant 0 : index
    %get3A_16 = vector.load %arg4[%get3A_14, %get3A_15] : memref<256x512xf32, #tpu.memory_space<vmem>>, vector<256x512xf32>
    %convert_element_type3A_17 = arith.truncf %get3A_16 : vector<256x512xf32> to vector<256x512xbf16>
    %dot_general3A = arith.constant dense<0.000000e+00> : vector<256x1024xf32>
    %dot_general3A_18 = tpu.matmul %convert_element_type3A_17, %convert_element_type3A, %dot_general3A {dimension_numbers = #tpu.dot_dimension_numbers<[1], [0], [0], [1], [0, 0, 1, 1], [], []>, transpose_lhs_hint = false} : vector<256x512xbf16>, vector<512x1024xbf16>, vector<256x1024xf32> -> vector<256x1024xf32>
    %eq3A_19 = arith.constant 0 : i32
    %eq3A_20 = arith.cmpi eq, %arg1, %eq3A_19 : i32
    %convert_element_type3A_21 = arith.extui %eq3A_20 : i1 to i32
    %cond3A = arith.constant 0 : i32
    %cond3A_22 = arith.cmpi ne, %convert_element_type3A_21, %cond3A : i32
    scf.if %cond3A_22 {
      %swap3A = arith.constant 0 : index
      %swap3A_27 = arith.constant 0 : index
      %swap3A_28 = vector.load %arg5[%swap3A, %swap3A_27] : memref<256x1024xf32, #tpu.memory_space<vmem>>, vector<256x1024xf32>
      tpu.vector_store %arg5[%swap3A, %swap3A_27], %dot_general3A_18 {strides = array<i32>} : memref<256x1024xf32, #tpu.memory_space<vmem>>, vector<256x1024xf32>,
    } else {
    }
    %gt3A = arith.constant 0 : i32
    %gt3A_23 = arith.cmpi sgt, %arg1, %gt3A : i32
    %convert_element_type3A_24 = arith.extui %gt3A_23 : i1 to i32
    %cond3A_25 = arith.constant 0 : i32
    %cond3A_26 = arith.cmpi ne, %convert_element_type3A_24, %cond3A_25 : i32
    scf.if %cond3A_26 {
      %get3A_27 = arith.constant 0 : index
      %get3A_28 = arith.constant 0 : index
      %get3A_29 = vector.load %arg5[%get3A_27, %get3A_28] : memref<256x1024xf32, #tpu.memory_space<vmem>>, vector<256x1024xf32>
      %add3A = arith.addf %get3A_29, %dot_general3A_18 : vector<256x1024xf32>
      %swap3A = arith.constant 0 : index
      %swap3A_30 = arith.constant 0 : index
      %swap3A_31 = vector.load %arg5[%swap3A, %swap3A_30] : memref<256x1024xf32, #tpu.memory_space<vmem>>, vector<256x1024xf32>
      tpu.vector_store %arg5[%swap3A, %swap3A_30], %add3A {strides = array<i32>} : memref<256x1024xf32, #tpu.memory_space<vmem>>, vector<256x1024xf32>,
    } else {
    }
    return
  }
  func.func @transform_0(%arg0: i32, %arg1: i32) -> (i32, i32, i32) {
    %c0_i32 = arith.constant 0 : i32
    %c0_i32_0 = arith.constant 0 : i32
    %c0_i32_1 = arith.constant 0 : i32
    return %arg1, %c0_i32, %c0_i32_0 : i32, i32, i32
  }
  func.func @transform_1(%arg0: i32, %arg1: i32) -> (i32, i32, i32) {
    %c0_i32 = arith.constant 0 : i32
    %c0_i32_0 = arith.constant 0 : i32
    %c0_i32_1 = arith.constant 0 : i32
    return %arg1, %c0_i32, %c0_i32_0 : i32, i32, i32
  }
  func.func @transform_2(%arg0: i32, %arg1: i32) -> (i32, i32) {
    %add3A = arith.constant 10 : i32
    %add3A_0 = arith.addi %arg0, %add3A : i32
    %c0_i32 = arith.constant 0 : i32
    return %add3A_0, %arg1 : i32, i32
  }
  func.func @transform_3(%arg0: i32, %arg1: i32) -> (i32, i32) {
    %c0_i32 = arith.constant 0 : i32
    %c0_i32_0 = arith.constant 0 : i32
    return %arg0, %c0_i32 : i32, i32
  }
}

</mosaic_0001>

<sc_bundles>
// kernel: kernel.4.cloned.1.call-start
scs
__scs_entry_jumppad:
0x0: {  	(pc) =	sbr.rel $0x88, $3  }
0x1: {  	(tag) =	ssettag $0x0;
	lr =	simm.s32 $0x1  }
0x2: {  	[smem:$0x3F9E] =	sst lr;
	_ =	strace $0xD0000000  }
0x3: {  	_ = 	snop  }
0x4: {  	_ = 	snop  }
0x5: {  	_ = 	snop  }
0x6: {  	_ = 	snop  }
0x7: {  	_ = 	snop  }
__scs_overlays_trampoline_lowered:
0x8: {  	[smem:$0x3FAD] =	sst s0  }
0x9: {  	[smem:$0x3FAE] =	sst s1  }
0xa: {  	[smem:$0x3FAF] =	sst s2  }
0xb: {  	[smem:$0x3FB0] =	sst s3  }
0xc: {  	[smem:$0x3FB1] =	sst s4  }
0xd: {  	[smem:$0x3FB2] =	sst s5  }
0xe: {  	[smem:$0x3FB3] =	sst s6  }
0xf: {  	[smem:$0x3FB4] =	sst s7  }
0x10: {  	[smem:$0x3FB5] =	sst s8  }
0x11: {  	[smem:$0x3FB6] =	sst s9;
	s0 =	simm.s32 @!p0 $0x0  }
0x12: {  	s1 =	sld [smem:$0x3F9C];
	s0 =	simm.s32 @p0 $0x1  }
0x13: {  	[smem:$0x3FB7] =	sst s0;
	s0 =	simm.s32 @!p1 $0x0  }
0x14: {  	s2 =	sld [smem:$0x3F9B];
	s0 =	simm.s32 @p1 $0x1  }
0x15: {  	[smem:$0x3FB8] =	sst s0;
	s0 =	simm.s32 @!p2 $0x0  }
0x16: {  	s3 =	sld [smem:$0x3FDB];
	s0 =	simm.s32 @p2 $0x1  }
0x17: {  	s4 =	simm.s32 $0x1BF5;
	[smem:$0x3FBA] =	sst s0  }
0x18: {  	s0 =	sld [smem:$0x3F9D];
	_ =	swait.ge [sflag:s4], $0x0  }
0x19: {  	s7 =	sld [smem:$0x3F9E]  }
0x1a: {  	s8 =	sadd.s32 $0xFFFFE003, lr  }
0x1b: {  	s9 =	sadd.s32 $0xFFFFFEF7, lr;
	s5 =	simm.s32 $0xFFFFFFFF;
	p2 =	slt.u32 s8, $0xFFFFF086  }
0x1c: {  	p1 =	slt.u32 s9, $0xF7A;
	s5 =	simm.s32 @!p2 $0x0  }
0x1d: {  	s5 =	simm.s32 @p1 $0x1;
	p0 =	seq.s32 s7, s2  }
0x1e: {  	s7 =	smul.u32 @!p0 $0xF7A, s2;
	p2 =	seq.s32 @!p0 s5, $0x0  }
0x1f: {  	s9 =	smul.u32 $0xF7A, s1;
	s8 =	simm.s32 @!p0 $0x1BF5;
	p2 =	por !p2, p0  }
0x20: {  	[sflag:s8] =	ssyncset.s32 @!p0 $0xFFFFF086;
	s6 =	sadd.s32 @!p0 s3, s7;
	s7 =	simm.s32 @!p0 $0x108  }
0x21: {  	s3 =	sadd.s32 s3, s9;
	s6 =	sadd.s32 @!p0 $0x88, s6;
	s7 =	simm.s32 @p2 $0x1082  }
0x22: {  	[simem:s7], [sflag:s8] =	dma.local @!p0 [hbm:s6], $0xF7A  }
0x23: {  	s9 =	sor.u32 $0xD0000000, s2;
	s6 =	simm.s32 $0x108;
	_ =	swait.ge @!p0 [sflag:s8], $0x0  }
0x24: {  	s3 =	sadd.s32 $0x88, s3;
	s6 =	simm.s32 @!p1 $0x1082;
	[sflag:s4] =	ssyncset.s32 $0xFFFFF086  }
0x25: {  	[simem:s6], [sflag:s4] =	dma.local [hbm:s3], $0xF7A  }
0x26: {  	[smem:$0x3F9E] =	sst s1;
	(tag) =	ssettag s2;
	_ =	strace s9  }
0x27: {  	s1 =	sld [smem:$0x3FAE]  }
0x28: {  	s2 =	sld [smem:$0x3FAF]  }
0x29: {  	s4 =	sld [smem:$0x3FB1]  }
0x2a: {  	p0 =	seq.s32 s5, $0x0;
	s5 =	sld [smem:$0x3FB2]  }
0x2b: {  	s6 =	sld [smem:$0x3FB3]  }
0x2c: {  	s7 =	sld [smem:$0x3FB4]  }
0x2d: {  	s3 =	simm.s32 $0x108;
	s8 =	sld [smem:$0x3FB5]  }
0x2e: {  	s3 =	simm.s32 @!p0 $0x1082;
	s9 =	sld [smem:$0x3FB6]  }
0x2f: {  	lr =	sadd.s32 s0, s3;
	s0 =	sld [smem:$0x3FAD]  }
0x30: {  	s3 =	sld [smem:$0x3FB0]  }
0x31: {  	[smem:$0x3FB9] =	sst s10  }
0x32: {  	s10 =	sld [smem:$0x3FB7];
	_ =	sdelay $0x3  }
0x33: {  	p0 =	seq.s32 s10, $0x1;
	s10 =	sld [smem:$0x3FB9];
	_ =	sdelay $0x3  }
0x34: {  	[smem:$0x3FB9] =	sst s10  }
0x35: {  	s10 =	sld [smem:$0x3FB8];
	_ =	sdelay $0x3  }
0x36: {  	p1 =	seq.s32 s10, $0x1;
	s10 =	sld [smem:$0x3FB9];
	_ =	sdelay $0x3  }
0x37: {  	[smem:$0x3FB9] =	sst s10  }
0x38: {  	s10 =	sld [smem:$0x3FBA]  }
0x39: {  	_ = 	snop;
	(pc) =	sbr.ind lr, $3  }
0x3a: {  	_ = 	snop  }
0x3b: {  	_ = 	snop  }
0x3c: {  	p2 =	seq.s32 s10, $0x1;
	s10 =	sld [smem:$0x3FB9]  }
0x3d: {  	_ =	shalt  }
0x3e: {  	_ =	shalt  }
0x3f: {  	_ =	shalt  }
0x40: {  	_ =	shalt  }
0x41: {  	_ =	shalt  }
0x42: {  	_ =	shalt  }
0x43: {  	_ =	shalt  }
0x44: {  	_ =	shalt  }
0x45: {  	_ =	shalt  }
0x46: {  	_ =	shalt  }
0x47: {  	_ =	shalt  }
0x48: {  	_ =	shalt  }
0x49: {  	_ =	shalt  }
0x4a: {  	_ =	shalt  }
0x4b: {  	_ =	shalt  }
0x4c: {  	_ =	shalt  }
0x4d: {  	_ =	shalt  }
0x4e: {  	_ =	shalt  }
0x4f: {  	_ =	shalt  }
0x50: {  	_ =	shalt  }
0x51: {  	_ =	shalt  }
0x52: {  	_ =	shalt  }
0x53: {  	_ =	shalt  }
0x54: {  	_ =	shalt  }
0x55: {  	_ =	shalt  }
0x56: {  	_ =	shalt  }
0x57: {  	_ =	shalt  }
0x58: {  	_ =	shalt  }
0x59: {  	_ =	shalt  }
0x5a: {  	_ =	shalt  }
0x5b: {  	_ =	shalt  }
0x5c: {  	_ =	shalt  }
0x5d: {  	_ =	shalt  }
0x5e: {  	_ =	shalt  }
0x5f: {  	_ =	shalt  }
0x60: {  	_ =	shalt  }
0x61: {  	_ =	shalt  }
0x62: {  	_ =	shalt  }
0x63: {  	_ =	shalt  }
0x64: {  	_ =	shalt  }
0x65: {  	_ =	shalt  }
0x66: {  	_ =	shalt  }
0x67: {  	_ =	shalt  }
0x68: {  	_ =	shalt  }
0x69: {  	_ =	shalt  }
0x6a: {  	_ =	shalt  }
0x6b: {  	_ =	shalt  }
0x6c: {  	_ =	shalt  }
0x6d: {  	_ =	shalt  }
0x6e: {  	_ =	shalt  }
0x6f: {  	_ =	shalt  }
0x70: {  	_ =	shalt  }
0x71: {  	_ =	shalt  }
0x72: {  	_ =	shalt  }
0x73: {  	_ =	shalt  }
0x74: {  	_ =	shalt  }
0x75: {  	_ =	shalt  }
0x76: {  	_ =	shalt  }
0x77: {  	_ =	shalt  }
0x78: {  	_ =	shalt  }
0x79: {  	_ =	shalt  }
0x7a: {  	_ =	shalt  }
0x7b: {  	_ =	shalt  }
0x7c: {  	_ =	shalt  }
0x7d: {  	_ =	shalt  }
0x7e: {  	_ =	shalt  }
0x7f: {  	_ =	shalt  }
0x80: {  	_ =	shalt  }
0x81: {  	_ =	shalt  }
0x82: {  	_ =	shalt  }
0x83: {  	_ =	shalt  }
0x84: {  	_ =	shalt  }
0x85: {  	_ =	shalt  }
0x86: {  	_ =	shalt  }
0x87: {  	_ =	shalt  }
.Lfunc_end0:
.L_simem_size_0:
called_computation_lowered:
.L_overlay_start_0:
0x88: {  	s2 =	sld [smem:$0x3FD9]  }
0x89: {  	s3 =	sld [smem:$0x3FFE];
	_ =	sdelay $0x1  }
0x8a: {  	s1 =	srdreg.scid  }
0x8b: {  	s0 =	sand.u32 $0x1, s1  }
0x8c: {  	s17 =	sshll.u32 s0, $0xA;
	s2 =	sadd.s32 s3, s2  }
0x8d: {  	s2 =	sadd.s32 s2, s17  }
0x8e: {  	[smem:$0x3FC5] =	sst s2  }
0x8f: {  	_ = 	snop  }
0x90: {  	s2 =	sld [smem:$0x3FC9]  }
0x91: {  	s18 =	sld [smem:$0x3FC8]  }
0x92: {  	s4 =	sld [smem:$0x3FC7];
	(tm) =	ssettm $0x1  }
0x93: {  	s5 =	sld [smem:$0x3FFB];
	_ =	sdelay $0x3  }
0x94: {  	_ =	strace s5  }
0x95: {  	s5 =	sld [smem:$0x3FFC];
	_ =	sdelay $0x3  }
0x96: {  	_ =	strace s5  }
0x97: {  	s5 =	sld [smem:$0x3FFD];
	_ =	sdelay $0x3  }
0x98: {  	_ =	strace s5  }
0x99: {  	_ =	strace $0x8FFFFFFF  }
0x9a: {  	s19 =	sld [smem:$0x3FDB];
	_ =	sdelay $0x1  }
0x9b: {  	s6 =	simm.s32 $_scs_section_size  }
0x9c: {  	s7 =	simm.s32 $_size__tile_overlayer_lowered;
	s8 =	simm.s32 $_tile_overlayer_lowered  }
0x9d: {  	s22 =	simm.s32 $0x1BFF;
	s21 =	sshll.u32 s8, $0x1;
	s5 =	sadd.s32 s6, s19  }
0x9e: {  	s9 =	simm.s32 $0x0;
	s20 =	sshll.u32 s7, $0x1;
	s7 =	sadd.s32 s21, s5  }
0x9f: {  	[timem:s9], [sflag:s22] =	dma.local [hbm:s7], s20  }
0xa0: {  	_ =	swait.ge [sflag:s22], s20  }
0xa1: {  	s6 =	ssub.s32 $0x0, s20;
	[sflag:s22] =	ssyncset.done $0x0  }
0xa2: {  	[sflag:s22] =	ssyncadd.s32 s6;
	_ =	sdelay $0x1  }
0xa3: {  	s23 =	simm.s32 $0x1B8B  }
0xa4: {  	_ =	swait.ge [sflag:s23], $0x1  }
0xa5: {  	[sflag:s23] =	ssyncset.done $0x0  }
0xa6: {  	s25 =	simm.s32 $0x1B8E;
	s24 =	sld [smem:$0x3FFE];
	[sflag:s23] =	ssyncadd.s32 $0xFFFFFFFF  }
0xa7: {  	s26 =	simm.s32 $execute0_lowered;
	[smem:$0x3FD2] =	sst s25  }
0xa8: {  	s7 =	sshll.u32 s26, $0x1;
	_ =	strace $0x80000046;
	[dreg:$0x1] =	wrdreg $0xFFFFFFFF  }
0xa9: {  	s28 =	simm.s32 $_size_execute0_lowered;
	s5 =	sadd.s32 s5, s7;
	[dreg:$0x0] =	wrdreg $0x0  }
0xaa: {  	s7 =	sshll.u32 s28, $0x1;
	[dreg:$0x2] =	wrdreg s5  }
0xab: {  	[dreg:$0x3] =	wrdreg s7  }
0xac: {  	[dreg:$0x4] =	wrdreg $0xC0  }
0xad: {  	_ =	task [dreg:s9], $0x5FFFF  }
0xae: {  	[dreg:$0x1] =	wrdreg $0xFFFFFFFF  }
0xaf: {  	[dreg:$0x0] =	wrdreg $0x60  }
0xb0: {  	[dreg:$0x2] =	wrdreg s2  }
0xb1: {  	[dreg:$0x3] =	wrdreg s18  }
0xb2: {  	[dreg:$0x4] =	wrdreg s4  }
0xb3: {  	[dreg:$0x5] =	wrdreg s24  }
0xb4: {  	[dreg:$0x6] =	wrdreg $0x9  }
0xb5: {  	_ =	task.clear_ibuf [dreg:s9], $0x7FFFF;
	_ =	strace $0x90000046  }
0xb6: {  	s29 =	simm.s32 $0x9;
	_ =	strace $0x80000048  }
0xb7: {  	_ =	swait.ge [sflag:s29], $0x1  }
0xb8: {  	[sflag:s29] =	ssyncadd.s32 $0xFFFFFFFF  }
0xb9: {  	_ =	strace $0x90000048  }
0xba: {  	_ =	sfence  }
0xbb: {  	s30 =	sld [smem:$0x0];
	_ =	sdelay $0x2  }
0xbc: {  	s31 =	sshll.u32 s1, $0xD;
	s1 =	sshrl.u32 s1, $0x2  }
0xbd: {  	s3 =	sand.u32 $0x4000, s31;
	s1 =	sadd.s32 s1, s30  }
0xbe: {  	s0 =	sor.u32 s3, s0;
	s1 =	sshll.u32 s1, $0x11  }
0xbf: {  	s0 =	sor.u32 s1, s0  }
0xc0: {  	s0 =	sadd.s32 $0x8F2B, s0  }
0xc1: {  	[sflag:s0] =	ssyncadd.remote.s32 $0x1  }
0xc2: {  	_ =	sfence.sel $0xFFFF  }
0xc3: {  	[dreg:$0x0] =	wrdreg $0xFFFFFFFF;
	(pc) =	sbr.abs _section_cstart, $3  }
0xc4: {  	[dreg:$0x1] =	wrdreg $0xFFFFFFFF  }
0xc5: {  	_ =	task.clear_ibuf [dreg:s9], $0x2FFFF;
	_ =	strace $0x9FFFFFFF  }
0xc6: {  	(tm) =	ssettm $0x7FFFFFFF  }
0xc7: {  	_ =	shalt  }
tec
execute0_lowered:
.L_overlay_start_1:
0x0: {  	(tag) =	ssettag $0x1  }
0x1: {  	s4 =	rddreg [dreg:$0x0];
	s0 =	srdreg.scid  }
0x2: {  	s1 =	stileid.u32;
	s2 =	rddreg [dreg:$0x3];
	s3 =	simm.s32 $0x0  }
0x3: {  	s28 =	simm.s32 $0x12000;
	s29 =	simm.s32 $0x12400;
	s9 =	simm.s32 $0x13800  }
0x4: {  	s30 =	simm.s32 $0x13C00;
	[smem:$0x7FF] =	sst s3;
	s16 =	sadd.s32 $0x800, s2  }
0x5: {  	s21 =	sadd.s32 $0x810, s2;
	_ =	strace $0x80000047;
	[dreg:$0x6] =	wrdreg s16  }
0x6: {  	s8 =	simm.s32 $0x14C00;
	s22 =	sadd.s32 $0x820, s2;
	[dreg:$0xa] =	wrdreg s21  }
0x7: {  	s6 =	simm.s32 $0x15C00;
	s23 =	sadd.s32 $0x830, s2;
	[dreg:$0xb] =	wrdreg s22  }
0x8: {  	s0 =	sand.u32 $0x1, s0;
	s24 =	sadd.s32 $0x840, s2;
	[dreg:$0xc] =	wrdreg s23  }
0x9: {  	s1 =	sshll.u32 s1, $0x1;
	s25 =	sadd.s32 $0x850, s2;
	[dreg:$0xd] =	wrdreg s24  }
0xa: {  	s26 =	sadd.s32 $0x860, s2;
	s1 =	sor.u32 s0, s1;
	[dreg:$0xe] =	wrdreg s25  }
0xb: {  	s2 =	sadd.s32 $0x870, s2;
	[dreg:$0xf] =	wrdreg s26;
	s5 =	smul.u32 $0x50, s1  }
0xc: {  	s0 =	ssub.s32 $0x2, s0;
	[dreg:$0x10] =	wrdreg s2;
	s1 =	smul.u32 $0xA000, s1  }
0xd: {  	s22 =	simm.s32 $0x13400;
	s21 =	simm.s32 $0x15400;
	s17 =	sshrl.u32 s0, $0x1  }
0xe: {  	s0 =	ssub.s32 s0, s17;
	s18 =	sadd.s32 s4, s1;
	[dreg:$0x5] =	wrdreg s5  }
0xf: {  	s19 =	sshrl.u32 s5, $0x3;
	s31 =	sor.u32 $0x8, s5;
	[dreg:$0x7] =	wrdreg s18  }
0x10: {  	s0 =	smax.u32 s0, $0x1;
	s5 =	simm.s32 $0x15000;
	[dreg:$0x12] =	wrdreg s31  }
0x11: {  	s4 =	simm.s32 $0x0;
	s3 =	sadd.s32 $0x1000, s18;
	[dreg:$0x13] =	wrdreg s0  }
0x12: {  	s20 =	sadd.s32 $0x2, s19;
	s1 =	sadd.s32 $0x3, s19;
	[dreg:$0x8] =	wrdreg s3  }
0x13: {  	s18 =	simm.s32 $0x12800;
	s0 =	simm.s32 $0x12C00;
	[dreg:$0x9] =	wrdreg s20  }
0x14: {  	v0 =	vimm.f32 $0.0e+00;
	[dreg:$0x11] =	wrdreg s1;
	s20 =	simm.s32 $0x13000;
	s1 =	simm.s32 $0x15800  }
.LBB2_1:
0x15: {  	[dreg:$0x14] =	wrdreg s4  }
0x16: {  	s3 =	rddreg [dreg:$0x1];
	s19 =	simm.s32 $0x0;
	s7 =	simm.s32 $0x5  }
0x17: {  	[tilespmem:s19], [sflag:$0x5] =	stream.linear.gather [hbm4b:s3+s19], $0x1000, $0x38;
	[tilespmem:$0x16000] =	vst v63  }
0x18: {  	_ =	swait.ge [sflag:s7], $0x1000  }
0x19: {  	[sflag:s7] =	ssyncset.done $0x0  }
0x1a: {  	[sflag:s7] =	ssyncadd.s32 $0xFFFFF000  }
0x1b: {  	s10 =	simm.s32 $0x1000;
	s23 =	rddreg [dreg:$0x2]  }
0x1c: {  	[tilespmem:s10], [sflag:$0x5] =	stream.linear.gather [hbm4b:s23+s19], $0x1000, $0x38;
	[tilespmem:$0x16000] =	vst v63  }
0x1d: {  	_ =	swait.ge [sflag:s7], $0x1000  }
0x1e: {  	[sflag:s7] =	ssyncset.done $0x0  }
0x1f: {  	s25 =	simm.s32 $0x2000;
	s24 =	rddreg [dreg:$0x7];
	[sflag:s7] =	ssyncadd.s32 $0xFFFFF000  }
0x20: {  	[tilespmem:s25], [sflag:$0x1] =	stream.linear.gather [hbm4b:s24+s19], $0x8000, $0x38;
	[tilespmem:$0x16000] =	vst v63  }
0x21: {  	s31 =	simm.s32 $0xA000;
	s2 =	simm.s32 $0x0;
	s26 =	rddreg [dreg:$0x8]  }
0x22: {  	[tilespmem:s31], [sflag:$0x2] =	stream.linear.gather [hbm4b:s26+s19], $0x8000, $0x38;
	[tilespmem:$0x16000] =	vst v63  }
.LBB2_2:
0x23: {  	s3 =	simm.s32 $0x1  }
0x24: {  	_ =	swait.ge [sflag:s3], $0x8000  }
0x25: {  	p0 =	seq.s32 s2, $0x0;
	[sflag:s3] =	ssyncset.done $0x0  }
0x26: {  	s4 =	simm.s32 @!p0 $0x3;
	[sflag:s3] =	ssyncadd.s32 $0xFFFF8000  }
0x27: {  	_ =	swait.ge @!p0 [sflag:s4], $0x400  }
0x28: {  	[sflag:s4] =	ssyncset.done @!p0 $0x0  }
0x29: {  	[sflag:s4] =	ssyncadd.s32 @!p0 $0xFFFFFC00  }
0x2a: {  	_ =	swait.ge @!p0 [sflag:s4], $0x400  }
0x2b: {  	[sflag:s4] =	ssyncset.done @!p0 $0x0  }
0x2c: {  	[sflag:s4] =	ssyncadd.s32 @!p0 $0xFFFFFC00  }
0x2d: {  	_ =	swait.ge @!p0 [sflag:s4], $0x400  }
0x2e: {  	[sflag:s4] =	ssyncset.done @!p0 $0x0  }
0x2f: {  	[sflag:s4] =	ssyncadd.s32 @!p0 $0xFFFFFC00  }
0x30: {  	_ =	swait.ge @!p0 [sflag:s4], $0x400  }
0x31: {  	[sflag:s4] =	ssyncset.done @!p0 $0x0  }
0x32: {  	[sflag:s4] =	ssyncadd.s32 @!p0 $0xFFFFFC00  }
0x33: {  	_ =	swait.ge @!p0 [sflag:s4], $0x400  }
0x34: {  	[sflag:s4] =	ssyncset.done @!p0 $0x0  }
0x35: {  	[sflag:s4] =	ssyncadd.s32 @!p0 $0xFFFFFC00  }
0x36: {  	_ =	swait.ge @!p0 [sflag:s4], $0x400  }
0x37: {  	[sflag:s4] =	ssyncset.done @!p0 $0x0  }
0x38: {  	[sflag:s4] =	ssyncadd.s32 @!p0 $0xFFFFFC00  }
0x39: {  	_ =	swait.ge @!p0 [sflag:s4], $0x400  }
0x3a: {  	[sflag:s4] =	ssyncset.done @!p0 $0x0  }
0x3b: {  	[sflag:s4] =	ssyncadd.s32 @!p0 $0xFFFFFC00  }
0x3c: {  	_ =	swait.ge @!p0 [sflag:s4], $0x400  }
0x3d: {  	[sflag:s4] =	ssyncset.done @!p0 $0x0  }
0x3e: {  	s26 =	simm.s32 $0x12020;
	[sflag:s4] =	ssyncadd.s32 @!p0 $0xFFFFFC00  }
0x3f: {  	[tilespmem:s26+$0xFFFFFFF0] =	vst v0  }
0x40: {  	[tilespmem:s26+$0x0] =	vst v0  }
0x41: {  	[tilespmem:s26+$0x10] =	vst v0  }
0x42: {  	s7 =	simm.s32 $0x12420;
	[tilespmem:s26+$0xFFFFFFE0] =	vst v0  }
0x43: {  	[tilespmem:s7+$0xFFFFFFF0] =	vst v0  }
0x44: {  	[tilespmem:s7+$0x0] =	vst v0  }
0x45: {  	[tilespmem:s7+$0x10] =	vst v0  }
0x46: {  	s11 =	simm.s32 $0x12820;
	[tilespmem:s7+$0xFFFFFFE0] =	vst v0  }
0x47: {  	[tilespmem:s11+$0xFFFFFFF0] =	vst v0  }
0x48: {  	[tilespmem:s11+$0x0] =	vst v0  }
0x49: {  	[tilespmem:s11+$0x10] =	vst v0  }
0x4a: {  	s12 =	simm.s32 $0x12C20;
	[tilespmem:s11+$0xFFFFFFE0] =	vst v0  }
0x4b: {  	[tilespmem:s12+$0xFFFFFFF0] =	vst v0  }
0x4c: {  	[tilespmem:s12+$0x0] =	vst v0  }
0x4d: {  	[tilespmem:s12+$0x10] =	vst v0  }
0x4e: {  	s13 =	simm.s32 $0x13020;
	[tilespmem:s12+$0xFFFFFFE0] =	vst v0  }
0x4f: {  	[tilespmem:s13+$0xFFFFFFF0] =	vst v0  }
0x50: {  	[tilespmem:s13+$0x0] =	vst v0  }
0x51: {  	[tilespmem:s13+$0x10] =	vst v0  }
0x52: {  	s14 =	simm.s32 $0x13420;
	[tilespmem:s13+$0xFFFFFFE0] =	vst v0  }
0x53: {  	[tilespmem:s14+$0xFFFFFFF0] =	vst v0  }
0x54: {  	[tilespmem:s14+$0x0] =	vst v0  }
0x55: {  	[tilespmem:s14+$0x10] =	vst v0  }
0x56: {  	s15 =	simm.s32 $0x13820;
	[tilespmem:s14+$0xFFFFFFE0] =	vst v0  }
0x57: {  	[tilespmem:s15+$0xFFFFFFF0] =	vst v0  }
0x58: {  	[tilespmem:s15+$0x0] =	vst v0  }
0x59: {  	s16 =	simm.s32 $0x13C20;
	[tilespmem:s15+$0x10] =	vst v0  }
0x5a: {  	[tilespmem:s16+$0xFFFFFFF0] =	vst v0  }
0x5b: {  	[tilespmem:s16+$0x0] =	vst v0  }
0x5c: {  	[tilespmem:s16+$0x10] =	vst v0  }
0x5d: {  	s31 =	sshll.u32 s2, $0x1;
	[dreg:$0x15] =	wrdreg s2  }
0x5e: {  	[dreg:$0x16] =	wrdreg s31  }
0x5f: {  	[tilespmem:s15+$0xFFFFFFE0] =	vst v0  }
0x60: {  	s17 =	simm.s32 $0x0;
	p1 =	por $0x0, $0x0;
	s4 =	simm.s32 $0x12060;
	[tilespmem:s16+$0xFFFFFFE0] =	vst v0  }
.LBB2_3:
0x61: {  	[tilespmem:s4+$0xFFFFFFF0] =	vst v0;
	s7 =	sadd.s32 $0x40, s7  }
0x62: {  	s11 =	sadd.s32 $0x40, s11;
	[tilespmem:s7+$0xFFFFFFF0] =	vst v0  }
0x63: {  	s12 =	sadd.s32 $0x40, s12;
	[tilespmem:s11+$0xFFFFFFF0] =	vst v0  }
0x64: {  	s13 =	sadd.s32 $0x40, s13;
	[tilespmem:s12+$0xFFFFFFF0] =	vst v0  }
0x65: {  	s14 =	sadd.s32 $0x40, s14;
	[tilespmem:s13+$0xFFFFFFF0] =	vst v0  }
0x66: {  	s15 =	sadd.s32 $0x40, s15;
	[tilespmem:s14+$0xFFFFFFF0] =	vst v0  }
0x67: {  	s16 =	sadd.s32 $0x40, s16;
	[tilespmem:s15+$0xFFFFFFF0] =	vst v0  }
0x68: {  	[tilespmem:s16+$0xFFFFFFF0] =	vst v0  }
0x69: {  	[tilespmem:s4+$0x0] =	vst v0  }
0x6a: {  	[tilespmem:s7+$0x0] =	vst v0  }
0x6b: {  	[tilespmem:s11+$0x0] =	vst v0  }
0x6c: {  	[tilespmem:s12+$0x0] =	vst v0  }
0x6d: {  	[tilespmem:s13+$0x0] =	vst v0  }
0x6e: {  	[tilespmem:s14+$0x0] =	vst v0  }
0x6f: {  	[tilespmem:s15+$0x0] =	vst v0  }
0x70: {  	[tilespmem:s16+$0x0] =	vst v0  }
0x71: {  	[tilespmem:s4+$0x10] =	vst v0  }
0x72: {  	[tilespmem:s7+$0x10] =	vst v0  }
0x73: {  	[tilespmem:s11+$0x10] =	vst v0  }
0x74: {  	[tilespmem:s12+$0x10] =	vst v0  }
0x75: {  	[tilespmem:s13+$0x10] =	vst v0  }
0x76: {  	[tilespmem:s14+$0x10] =	vst v0  }
0x77: {  	[tilespmem:s15+$0x10] =	vst v0  }
0x78: {  	[tilespmem:s16+$0x10] =	vst v0  }
0x79: {  	[tilespmem:s4+$0xFFFFFFE0] =	vst v0  }
0x7a: {  	s17 =	sadd.s32 $0x4, s17;
	[tilespmem:s7+$0xFFFFFFE0] =	vst v0  }
0x7b: {  	p2 =	slt.u32 s17, $0x3C;
	[tilespmem:s11+$0xFFFFFFE0] =	vst v0  }
.Ltmp0:
0x7c: {  	[tilespmem:s12+$0xFFFFFFE0] =	vst v0;
	(pc) =	sbr.rel @p2 .LBB2_3-.Ltmp0, $4  }
0x7d: {  	[tilespmem:s13+$0xFFFFFFE0] =	vst v0  }
0x7e: {  	[tilespmem:s14+$0xFFFFFFE0] =	vst v0  }
0x7f: {  	s19 =	simm.s32 $0x0;
	s10 =	simm.s32 $0x1000;
	[tilespmem:s15+$0xFFFFFFE0] =	vst v0  }
0x80: {  	s4 =	sadd.s32 $0x40, s4;
	[tilespmem:s16+$0xFFFFFFE0] =	vst v0  }
0x81: {  	s4 =	sand.u32 $0x40, s19  }
0x82: {  	s7 =	sand.u32 $0xF80, s19;
	s11 =	sor.u32 $0x30, s4  }
0x83: {  	v1 =	vld [tilespmem:s10+$0x0];
	s26 =	sand.u32 $0x7C00, s19;
	s12 =	sor.u32 s7, s11  }
0x84: {  	s10 =	sadd.s32 $0x2000, s26;
	v8 =	vld [tilespmem:s12+$0x1000]  }
0x85: {  	s11 =	sor.u32 s11, s10;
	v7 =	vld [tilespmem:s12+$0x0]  }
0x86: {  	v3 =	vld [tilespmem:s11+$0x0]  }
0x87: {  	v2 =	vld [tilespmem:s19+$0x0];
	s31 =	sor.u32 $0x10, s4;
	s13 =	sor.u32 s4, s10  }
0x88: {  	s14 =	sor.u32 s7, s31;
	v9 =	vld [tilespmem:s13+$0x0]  }
0x89: {  	s4 =	sor.u32 $0x20, s4;
	s12 =	sor.u32 s31, s10;
	v5 =	vld [tilespmem:s14+$0x1000]  }
0x8a: {  	s7 =	sor.u32 s7, s4;
	v10 =	vld [tilespmem:s12+$0x0]  }
0x8b: {  	v4 =	vld [tilespmem:s7+$0x1000];
	v6 =	vmul.f32 v3, v8  }
0x8c: {  	v3 =	vld [tilespmem:s14+$0x0]  }
0x8d: {  	[tilespmem:v7+s28+$0x0] =	vst.idx.add.f32.msk $0xffff, v6  }
0x8e: {  	v11 =	vld [tilespmem:s11+$0x80]  }
0x8f: {  	s4 =	sor.u32 s4, s10;
	v6 =	vld [tilespmem:s7+$0x0]  }
0x90: {  	v12 =	vld [tilespmem:s4+$0x0];
	v9 =	vmul.f32 v9, v1;
	_ =	sdelay $0x1  }
0x91: {  	v10 =	vmul.f32 v10, v5;
	[tilespmem:v2+s28+$0x0] =	vst.idx.add.f32.msk $0xffff, v9  }
0x92: {  	v9 =	vld [tilespmem:s13+$0x80];
	v11 =	vmul.f32 v11, v8  }
0x93: {  	[tilespmem:v3+s28+$0x0] =	vst.idx.add.f32.msk $0xffff, v10  }
0x94: {  	v10 =	vmul.f32 v12, v4;
	[tilespmem:v7+s29+$0x0] =	vst.idx.add.f32.msk $0xffff, v11  }
0x95: {  	v11 =	vld [tilespmem:s11+$0x100]  }
0x96: {  	[tilespmem:v6+s28+$0x0] =	vst.idx.add.f32.msk $0xffff, v10  }
0x97: {  	v10 =	vld [tilespmem:s12+$0x80]  }
0x98: {  	v9 =	vmul.f32 v9, v1;
	v12 =	vld [tilespmem:s4+$0x80];
	_ =	sdelay $0x1  }
0x99: {  	[tilespmem:v2+s29+$0x0] =	vst.idx.add.f32.msk $0xffff, v9;
	v9 =	vmul.f32 v11, v8  }
0x9a: {  	v11 =	vld [tilespmem:s13+$0x100]  }
0x9b: {  	v10 =	vmul.f32 v10, v5;
	[tilespmem:v7+s18+$0x0] =	vst.idx.add.f32.msk $0xffff, v9  }
0x9c: {  	v9 =	vmul.f32 v12, v4;
	v12 =	vld [tilespmem:s11+$0x180]  }
0x9d: {  	[tilespmem:v3+s29+$0x0] =	vst.idx.add.f32.msk $0xffff, v10  }
0x9e: {  	s7 =	simm.s32 $0x1;
	[tilespmem:v6+s29+$0x0] =	vst.idx.add.f32.msk $0xffff, v9  }
0x9f: {  	s7 =	simm.s32 @!p1 $0x0;
	v9 =	vld [tilespmem:s12+$0x100]  }
0xa0: {  	s7 =	sshll.u32 s7, $0x6;
	v10 =	vmul.f32 v11, v1;
	v11 =	vld [tilespmem:s4+$0x100]  }
0xa1: {  	s7 =	sadd.s32 $0x0, s7;
	v12 =	vmul.f32 v12, v8  }
0xa2: {  	s2 =	sadd.s32 $0x30, s7;
	[tilespmem:v2+s18+$0x0] =	vst.idx.add.f32.msk $0xffff, v10  }
0xa3: {  	s3 =	sor.u32 $0x200, s2;
	[tilespmem:v7+s0+$0x0] =	vst.idx.add.f32.msk $0xffff, v12  }
0xa4: {  	v9 =	vmul.f32 v9, v5;
	v10 =	vld [tilespmem:s3+$0x2000]  }
0xa5: {  	v12 =	vld [tilespmem:s13+$0x180];
	v11 =	vmul.f32 v11, v4  }
0xa6: {  	[tilespmem:v3+s18+$0x0] =	vst.idx.add.f32.msk $0xffff, v9  }
0xa7: {  	[tilespmem:v6+s18+$0x0] =	vst.idx.add.f32.msk $0xffff, v11  }
0xa8: {  	v9 =	vld [tilespmem:s12+$0x180]  }
0xa9: {  	v11 =	vld [tilespmem:s4+$0x180];
	v10 =	vmul.f32 v10, v8;
	_ =	sdelay $0x1  }
0xaa: {  	s12 =	sor.u32 $0x280, s2;
	v12 =	vmul.f32 v12, v1;
	[tilespmem:v7+s20+$0x0] =	vst.idx.add.f32.msk $0xffff, v10  }
0xab: {  	v10 =	vld [tilespmem:s12+$0x2000]  }
0xac: {  	s13 =	sor.u32 $0x200, s7;
	[tilespmem:v2+s0+$0x0] =	vst.idx.add.f32.msk $0xffff, v12;
	v9 =	vmul.f32 v9, v5  }
0xad: {  	v12 =	vld [tilespmem:s13+$0x2000];
	v11 =	vmul.f32 v11, v4  }
0xae: {  	s14 =	sadd.s32 $0x10, s7;
	[tilespmem:v3+s0+$0x0] =	vst.idx.add.f32.msk $0xffff, v9  }
0xaf: {  	s15 =	sadd.s32 $0x20, s7;
	s17 =	sor.u32 $0x200, s14;
	[tilespmem:v6+s0+$0x0] =	vst.idx.add.f32.msk $0xffff, v11  }
0xb0: {  	s18 =	sor.u32 $0x200, s15;
	v9 =	vld [tilespmem:s17+$0x2000];
	v10 =	vmul.f32 v10, v8  }
0xb1: {  	v11 =	vld [tilespmem:s18+$0x2000]  }
0xb2: {  	s23 =	sor.u32 $0x300, s2;
	[tilespmem:v7+s22+$0x0] =	vst.idx.add.f32.msk $0xffff, v10  }
0xb3: {  	v10 =	vmul.f32 v12, v1;
	v12 =	vld [tilespmem:s23+$0x2000];
	_ =	sdelay $0x1  }
0xb4: {  	s24 =	sor.u32 $0x280, s7;
	v9 =	vmul.f32 v9, v5;
	[tilespmem:v2+s20+$0x0] =	vst.idx.add.f32.msk $0xffff, v10  }
0xb5: {  	v11 =	vmul.f32 v11, v4;
	v10 =	vld [tilespmem:s24+$0x2000]  }
0xb6: {  	[tilespmem:v3+s20+$0x0] =	vst.idx.add.f32.msk $0xffff, v9  }
0xb7: {  	s25 =	sor.u32 $0x280, s14;
	[tilespmem:v6+s20+$0x0] =	vst.idx.add.f32.msk $0xffff, v11;
	v9 =	vmul.f32 v12, v8  }
0xb8: {  	v12 =	vld [tilespmem:s25+$0x2000]  }
0xb9: {  	s31 =	sor.u32 $0x300, s7;
	s10 =	sor.u32 $0x380, s2;
	s26 =	sor.u32 $0x280, s15;
	[tilespmem:v7+s9+$0x0] =	vst.idx.add.f32.msk $0xffff, v9  }
0xba: {  	s16 =	sor.u32 $0x300, s15;
	s11 =	simm.s32 $0x0;
	s2 =	simm.s32 $0x12C00;
	v11 =	vmul.f32 v10, v1;
	v9 =	vld [tilespmem:s10+$0x2000]  }
0xbb: {  	s13 =	sor.u32 $0x380, s14;
	s12 =	sor.u32 $0x380, s15;
	s0 =	simm.s32 $0x12800;
	v10 =	vld [tilespmem:s26+$0x2000]  }
0xbc: {  	s17 =	sor.u32 $0x380, s7;
	s7 =	simm.s32 $0x0;
	s18 =	sor.u32 $0x300, s14;
	[tilespmem:v2+s22+$0x0] =	vst.idx.add.f32.msk $0xffff, v11  }
0xbd: {  	s23 =	simm.s32 $0x1040;
	s24 =	simm.s32 $0x13000;
	s25 =	simm.s32 $0x0;
	v11 =	vld [tilespmem:s31+$0x2000];
	v12 =	vmul.f32 v12, v5  }
.LBB2_5:
0xbe: {  	v13 =	vld [tilespmem:s23+$0x0]  }
0xbf: {  	[tilespmem:v3+s22+$0x0] =	vst.idx.add.f32.msk $0xffff, v12;
	v8 =	vmul.f32 v9, v8  }
0xc0: {  	v9 =	vld [tilespmem:s18+$0x2000];
	v10 =	vmul.f32 v10, v4  }
0xc1: {  	[tilespmem:v7+s30+$0x0] =	vst.idx.add.f32.msk $0xffff, v8  }
0xc2: {  	v7 =	vmul.f32 v11, v1;
	[tilespmem:v6+s22+$0x0] =	vst.idx.add.f32.msk $0xffff, v10  }
0xc3: {  	v10 =	vld [tilespmem:s16+$0x2000]  }
0xc4: {  	s19 =	sadd.s32 $0x40, s19;
	s7 =	sadd.s32 $0x200, s7;
	s11 =	sadd.s32 $0x40, s11;
	[tilespmem:v2+s9+$0x0] =	vst.idx.add.f32.msk $0xffff, v7  }
0xc5: {  	s25 =	sadd.s32 $0x4, s25;
	s3 =	simm.s32 $0x13800;
	s10 =	sand.u32 $0x40, s19;
	v11 =	vld [tilespmem:s17+$0x2000];
	v7 =	vmul.f32 v9, v5  }
0xc6: {  	s4 =	sand.u32 $0xF80, s19;
	s15 =	sand.u32 $0x7C00, s7;
	s14 =	sor.u32 $0x30, s10;
	v9 =	vld [tilespmem:s11+$0x0]  }
0xc7: {  	p2 =	slt.u32 s25, $0xFC;
	s18 =	sor.u32 $0x20, s10;
	s16 =	sor.u32 s4, s14;
	[tilespmem:v3+s9+$0x0] =	vst.idx.add.f32.msk $0xffff, v7  }
0xc8: {  	s26 =	sor.u32 s4, s18;
	s17 =	sadd.s32 $0x2000, s15;
	s15 =	sor.u32 $0x10, s10;
	v8 =	vld [tilespmem:s16+$0x1000];
	v12 =	vmul.f32 v10, v4  }
0xc9: {  	s22 =	sor.u32 s4, s15;
	s4 =	sor.u32 s14, s17;
	s9 =	simm.s32 $0x13400;
	v7 =	vld [tilespmem:s16+$0x0]  }
0xca: {  	s15 =	sor.u32 s15, s17;
	s14 =	sor.u32 s18, s17;
	s16 =	sor.u32 s10, s17;
	v14 =	vld [tilespmem:s4+$0x0];
	v10 =	vmul.f32 v11, v1;
	v1 =	vmov v13  }
0xcb: {  	v11 =	vld [tilespmem:s16+$0x0]  }
0xcc: {  	v13 =	vld [tilespmem:s22+$0x1000]  }
0xcd: {  	v15 =	vld [tilespmem:s15+$0x0]  }
0xce: {  	v16 =	vld [tilespmem:s26+$0x1000]  }
0xcf: {  	v17 =	vld [tilespmem:s14+$0x0];
	v14 =	vmul.f32 v14, v8  }
0xd0: {  	v11 =	vmul.f32 v11, v1;
	v18 =	vld [tilespmem:s22+$0x0]  }
0xd1: {  	[tilespmem:v7+s28+$0x0] =	vst.idx.add.f32.msk $0xffff, v14  }
0xd2: {  	v14 =	vmul.f32 v15, v13;
	v15 =	vld [tilespmem:s4+$0x80]  }
0xd3: {  	v19 =	vld [tilespmem:s26+$0x0]  }
0xd4: {  	[tilespmem:v9+s28+$0x0] =	vst.idx.add.f32.msk $0xffff, v11;
	v11 =	vmul.f32 v17, v16  }
0xd5: {  	v17 =	vld [tilespmem:s16+$0x80]  }
0xd6: {  	[tilespmem:v6+s3+$0x0] =	vst.idx.add.f32.msk $0xffff, v12  }
0xd7: {  	v12 =	vmul.f32 v15, v8;
	v15 =	vld [tilespmem:s13+$0x2000]  }
0xd8: {  	[tilespmem:v18+s28+$0x0] =	vst.idx.add.f32.msk $0xffff, v14  }
0xd9: {  	[tilespmem:v7+s29+$0x0] =	vst.idx.add.f32.msk $0xffff, v12  }
0xda: {  	v12 =	vmul.f32 v17, v1;
	v14 =	vld [tilespmem:s4+$0x100]  }
0xdb: {  	[tilespmem:v19+s28+$0x0] =	vst.idx.add.f32.msk $0xffff, v11  }
0xdc: {  	v11 =	vld [tilespmem:s15+$0x80];
	v15 =	vmul.f32 v15, v5;
	v5 =	vmov v13  }
0xdd: {  	v13 =	vld [tilespmem:s14+$0x80]  }
0xde: {  	[tilespmem:v9+s29+$0x0] =	vst.idx.add.f32.msk $0xffff, v12  }
0xdf: {  	v12 =	vld [tilespmem:s16+$0x100];
	v14 =	vmul.f32 v14, v8  }
0xe0: {  	v17 =	vld [tilespmem:s12+$0x2000]  }
0xe1: {  	v11 =	vmul.f32 v11, v5;
	[tilespmem:v7+s0+$0x0] =	vst.idx.add.f32.msk $0xffff, v14  }
0xe2: {  	v13 =	vmul.f32 v13, v16;
	v14 =	vld [tilespmem:s4+$0x180]  }
0xe3: {  	p1 =	por !p1, !p1;
	s4 =	simm.s32 $0x1;
	[tilespmem:v18+s29+$0x0] =	vst.idx.add.f32.msk $0xffff, v11  }
0xe4: {  	s4 =	simm.s32 @!p1 $0x0;
	v11 =	vmul.f32 v12, v1;
	[tilespmem:v19+s29+$0x0] =	vst.idx.add.f32.msk $0xffff, v13  }
0xe5: {  	s4 =	sshll.u32 s4, $0x6;
	v12 =	vld [tilespmem:s15+$0x100];
	v13 =	vmul.f32 v17, v4;
	v4 =	vmov v16  }
0xe6: {  	s17 =	sadd.s32 s4, s7;
	v16 =	vld [tilespmem:s14+$0x100]  }
0xe7: {  	s20 =	simm.s32 $0x13C00;
	s12 =	sadd.s32 $0x10, s17;
	[tilespmem:v9+s0+$0x0] =	vst.idx.add.f32.msk $0xffff, v11;
	v11 =	vmul.f32 v14, v8  }
0xe8: {  	s28 =	sadd.s32 $0x20, s17;
	s4 =	sadd.s32 $0x30, s17;
	s31 =	sor.u32 $0x200, s17;
	v14 =	vld [tilespmem:s16+$0x180]  }
0xe9: {  	s29 =	sor.u32 $0x200, s12;
	s30 =	sor.u32 $0x200, s28;
	s10 =	sor.u32 $0x200, s4;
	[tilespmem:v7+s2+$0x0] =	vst.idx.add.f32.msk $0xffff, v11  }
0xea: {  	s3 =	sor.u32 $0x280, s17;
	s26 =	sor.u32 $0x280, s12;
	s22 =	sor.u32 $0x280, s28;
	v11 =	vmul.f32 v12, v5;
	v12 =	vld [tilespmem:s10+$0x2000]  }
0xeb: {  	s18 =	sor.u32 $0x300, s12;
	s13 =	sor.u32 $0x380, s12;
	s16 =	sor.u32 $0x300, s28;
	v16 =	vmul.f32 v16, v4;
	[tilespmem:v3+s20+$0x0] =	vst.idx.add.f32.msk $0xffff, v15;
	v3 =	vmov v18  }
0xec: {  	s12 =	sor.u32 $0x380, s28;
	s28 =	simm.s32 $0x12000;
	s10 =	sor.u32 $0x300, s17;
	[tilespmem:v18+s0+$0x0] =	vst.idx.add.f32.msk $0xffff, v11  }
0xed: {  	s17 =	sor.u32 $0x380, s17;
	v11 =	vmul.f32 v14, v1;
	[tilespmem:v19+s0+$0x0] =	vst.idx.add.f32.msk $0xffff, v16  }
0xee: {  	v14 =	vld [tilespmem:s15+$0x180]  }
0xef: {  	v15 =	vld [tilespmem:s14+$0x180];
	v12 =	vmul.f32 v12, v8  }
0xf0: {  	[tilespmem:v9+s2+$0x0] =	vst.idx.add.f32.msk $0xffff, v11  }
0xf1: {  	s14 =	sor.u32 $0x280, s4;
	[tilespmem:v7+s24+$0x0] =	vst.idx.add.f32.msk $0xffff, v12  }
0xf2: {  	v11 =	vld [tilespmem:s14+$0x2000]  }
0xf3: {  	v12 =	vld [tilespmem:s31+$0x2000];
	v14 =	vmul.f32 v14, v5  }
0xf4: {  	v15 =	vmul.f32 v15, v4;
	[tilespmem:v6+s20+$0x0] =	vst.idx.add.f32.msk $0xffff, v13;
	v6 =	vmov v19  }
0xf5: {  	[tilespmem:v18+s2+$0x0] =	vst.idx.add.f32.msk $0xffff, v14  }
0xf6: {  	[tilespmem:v19+s2+$0x0] =	vst.idx.add.f32.msk $0xffff, v15  }
0xf7: {  	v13 =	vld [tilespmem:s29+$0x2000];
	s29 =	simm.s32 $0x12400;
	v11 =	vmul.f32 v11, v8  }
0xf8: {  	v12 =	vmul.f32 v12, v1;
	v14 =	vld [tilespmem:s30+$0x2000];
	s30 =	simm.s32 $0x13C00  }
0xf9: {  	s14 =	sor.u32 $0x300, s4;
	[tilespmem:v7+s9+$0x0] =	vst.idx.add.f32.msk $0xffff, v11;
	s9 =	simm.s32 $0x13800  }
0xfa: {  	v11 =	vld [tilespmem:s14+$0x2000]  }
0xfb: {  	[tilespmem:v9+s24+$0x0] =	vst.idx.add.f32.msk $0xffff, v12  }
0xfc: {  	v12 =	vld [tilespmem:s3+$0x2000];
	v13 =	vmul.f32 v13, v5  }
0xfd: {  	v14 =	vmul.f32 v14, v4;
	[tilespmem:v2+s30+$0x0] =	vst.idx.add.f32.msk $0xffff, v10;
	v2 =	vmov v9  }
0xfe: {  	[tilespmem:v3+s24+$0x0] =	vst.idx.add.f32.msk $0xffff, v13  }
0xff: {  	[tilespmem:v19+s24+$0x0] =	vst.idx.add.f32.msk $0xffff, v14;
	v9 =	vmul.f32 v11, v8  }
0x100: {  	v13 =	vld [tilespmem:s26+$0x2000]  }
.Ltmp1:
0x101: {  	s3 =	sor.u32 $0x380, s4;
	v11 =	vmul.f32 v12, v1;
	[tilespmem:v7+s9+$0x0] =	vst.idx.add.f32.msk $0xffff, v9;
	(pc) =	sbr.rel @p2 .LBB2_5-.Ltmp1, $4  }
0x102: {  	v9 =	vld [tilespmem:s3+$0x2000]  }
0x103: {  	v10 =	vld [tilespmem:s22+$0x2000];
	s22 =	simm.s32 $0x13400  }
0x104: {  	[tilespmem:v2+s22+$0x0] =	vst.idx.add.f32.msk $0xffff, v11  }
0x105: {  	s23 =	sadd.s32 $0x40, s23;
	v11 =	vld [tilespmem:s10+$0x2000];
	v12 =	vmul.f32 v13, v5  }
0x106: {  	_ =	sdelay $0x3  }
0x107: {  	[tilespmem:v3+s22+$0x0] =	vst.idx.add.f32.msk $0xffff, v12;
	v10 =	vmul.f32 v10, v4  }
0x108: {  	v12 =	vld [tilespmem:s18+$0x2000]  }
0x109: {  	[tilespmem:v6+s22+$0x0] =	vst.idx.add.f32.msk $0xffff, v10  }
0x10a: {  	v10 =	vld [tilespmem:s16+$0x2000]  }
0x10b: {  	v11 =	vmul.f32 v11, v1;
	_ =	sdelay $0x1  }
0x10c: {  	[tilespmem:v2+s9+$0x0] =	vst.idx.add.f32.msk $0xffff, v11;
	v12 =	vmul.f32 v12, v5  }
0x10d: {  	v61 =	vld [tilespmem:s17+$0x2000]  }
0x10e: {  	[tilespmem:v3+s9+$0x0] =	vst.idx.add.f32.msk $0xffff, v12;
	v10 =	vmul.f32 v10, v4  }
0x10f: {  	v59 =	vld [tilespmem:s13+$0x2000]  }
0x110: {  	v8 =	vmul.f32 v9, v8;
	[tilespmem:v6+s9+$0x0] =	vst.idx.add.f32.msk $0xffff, v10  }
0x111: {  	v60 =	vld [tilespmem:s12+$0x2000]  }
0x112: {  	s10 =	rddreg [dreg:$0x15];
	[tilespmem:v7+s30+$0x0] =	vst.idx.add.f32.msk $0xffff, v8  }
0x113: {  	s3 =	rddreg [dreg:$0x9]  }
0x114: {  	v1 =	vmul.f32 v61, v1;
	p1 =	seq.s32 s10, $0x4;
	s4 =	rddreg [dreg:$0x16]  }
0x115: {  	v62 =	vmul.f32 v59, v5;
	s3 =	sadd.s32 @!p1 s4, s3  }
0x116: {  	[tilespmem:v2+s30+$0x0] =	vst.idx.add.f32.msk $0xffff, v1;
	s3 =	sshll.u32 @!p1 s3, $0xC;
	v63 =	vmul.f32 v60, v4  }
0x117: {  	s4 =	rddreg [dreg:$0x0];
	[tilespmem:v3+s30+$0x0] =	vst.idx.add.f32.msk $0xffff, v62;
	s3 =	sand.u32 @!p1 $0x1FFFE000, s3  }
0x118: {  	s7 =	simm.s32 @!p1 $0x2000;
	s3 =	sadd.s32 @!p1 s4, s3;
	s4 =	simm.s32 @!p1 $0x0;
	[tilespmem:v6+s30+$0x0] =	vst.idx.add.f32.msk $0xffff, v63  }
0x119: {  	[tilespmem:s7], [sflag:$0x1] =	stream.linear.gather @!p1 [hbm4b:s3+s4], $0x8000, $0x38;
	[tilespmem:$0x16000] =	vst v63  }
0x11a: {  	s14 =	sshll.u32 s10, $0x4;
	s15 =	rddreg [dreg:$0x5]  }
0x11b: {  	s3 =	sadd.s32 s15, s14  }
0x11c: {  	s20 =	simm.s32 $0x80;
	s16 =	rddreg [dreg:$0x6];
	s3 =	sshll.u32 s3, $0x7  }
0x11d: {  	s17 =	simm.s32 $0x400;
	s18 =	rddreg [dreg:$0xa];
	s4 =	sadd.s32 s16, s3  }
0x11e: {  	[hbm4b:s4+s20] =	stream.strided.scatter [tilespmem:s28], [sflag:$0x3], $0x400, s17, s20, $0x38;
	[tilespmem:$0x16000] =	vst v63  }
0x11f: {  	s19 =	rddreg [dreg:$0xb];
	s4 =	sadd.s32 s3, s18  }
0x120: {  	[hbm4b:s4+s20] =	stream.strided.scatter [tilespmem:s29], [sflag:$0x3], $0x400, s17, s20, $0x38;
	[tilespmem:$0x16000] =	vst v63  }
0x121: {  	s23 =	rddreg [dreg:$0xc];
	s4 =	sadd.s32 s3, s19  }
0x122: {  	[hbm4b:s4+s20] =	stream.strided.scatter [tilespmem:s0], [sflag:$0x3], $0x400, s17, s20, $0x38;
	[tilespmem:$0x16000] =	vst v63  }
0x123: {  	s25 =	rddreg [dreg:$0xd];
	s4 =	sadd.s32 s3, s23  }
0x124: {  	[hbm4b:s4+s20] =	stream.strided.scatter [tilespmem:s2], [sflag:$0x3], $0x400, s17, s20, $0x38;
	[tilespmem:$0x16000] =	vst v63  }
0x125: {  	s26 =	rddreg [dreg:$0xe];
	s4 =	sadd.s32 s3, s25  }
0x126: {  	[hbm4b:s4+s20] =	stream.strided.scatter [tilespmem:s24], [sflag:$0x3], $0x400, s17, s20, $0x38;
	[tilespmem:$0x16000] =	vst v63  }
0x127: {  	s28 =	rddreg [dreg:$0xf];
	s4 =	sadd.s32 s3, s26  }
0x128: {  	[hbm4b:s4+s20] =	stream.strided.scatter [tilespmem:s22], [sflag:$0x3], $0x400, s17, s20, $0x38;
	[tilespmem:$0x16000] =	vst v63  }
0x129: {  	s29 =	rddreg [dreg:$0x10];
	s4 =	sadd.s32 s3, s28  }
0x12a: {  	[hbm4b:s4+s20] =	stream.strided.scatter [tilespmem:s9], [sflag:$0x3], $0x400, s17, s20, $0x38;
	[tilespmem:$0x16000] =	vst v63  }
0x12b: {  	s3 =	sadd.s32 s3, s29  }
0x12c: {  	[hbm4b:s3+s20] =	stream.strided.scatter [tilespmem:s30], [sflag:$0x3], $0x400, s17, s20, $0x38;
	[tilespmem:$0x16000] =	vst v63  }
0x12d: {  	[dreg:$0x17] =	wrdreg s14;
	s30 =	simm.s32 $0x2  }
0x12e: {  	_ =	swait.ge [sflag:s30], $0x8000  }
0x12f: {  	[sflag:s30] =	ssyncset.done $0x0  }
0x130: {  	s3 =	simm.s32 @!p0 $0x4;
	[sflag:s30] =	ssyncadd.s32 $0xFFFF8000  }
0x131: {  	_ =	swait.ge @!p0 [sflag:s3], $0x400  }
0x132: {  	[sflag:s3] =	ssyncset.done @!p0 $0x0  }
0x133: {  	[sflag:s3] =	ssyncadd.s32 @!p0 $0xFFFFFC00  }
0x134: {  	_ =	swait.ge @!p0 [sflag:s3], $0x400  }
0x135: {  	[sflag:s3] =	ssyncset.done @!p0 $0x0  }
0x136: {  	[sflag:s3] =	ssyncadd.s32 @!p0 $0xFFFFFC00  }
0x137: {  	_ =	swait.ge @!p0 [sflag:s3], $0x400  }
0x138: {  	[sflag:s3] =	ssyncset.done @!p0 $0x0  }
0x139: {  	[sflag:s3] =	ssyncadd.s32 @!p0 $0xFFFFFC00  }
0x13a: {  	_ =	swait.ge @!p0 [sflag:s3], $0x400  }
0x13b: {  	[sflag:s3] =	ssyncset.done @!p0 $0x0  }
0x13c: {  	[sflag:s3] =	ssyncadd.s32 @!p0 $0xFFFFFC00  }
0x13d: {  	_ =	swait.ge @!p0 [sflag:s3], $0x400  }
0x13e: {  	[sflag:s3] =	ssyncset.done @!p0 $0x0  }
0x13f: {  	[sflag:s3] =	ssyncadd.s32 @!p0 $0xFFFFFC00  }
0x140: {  	_ =	swait.ge @!p0 [sflag:s3], $0x400  }
0x141: {  	[sflag:s3] =	ssyncset.done @!p0 $0x0  }
0x142: {  	[sflag:s3] =	ssyncadd.s32 @!p0 $0xFFFFFC00  }
0x143: {  	_ =	swait.ge @!p0 [sflag:s3], $0x400  }
0x144: {  	[sflag:s3] =	ssyncset.done @!p0 $0x0  }
0x145: {  	[sflag:s3] =	ssyncadd.s32 @!p0 $0xFFFFFC00  }
0x146: {  	_ =	swait.ge @!p0 [sflag:s3], $0x400  }
0x147: {  	[sflag:s3] =	ssyncset.done @!p0 $0x0  }
0x148: {  	s31 =	simm.s32 $0x14020;
	[sflag:s3] =	ssyncadd.s32 @!p0 $0xFFFFFC00  }
0x149: {  	[tilespmem:s31+$0xFFFFFFF0] =	vst v0  }
0x14a: {  	[tilespmem:s31+$0x0] =	vst v0  }
0x14b: {  	[tilespmem:s31+$0x10] =	vst v0  }
0x14c: {  	s7 =	simm.s32 $0x14420;
	[tilespmem:s31+$0xFFFFFFE0] =	vst v0  }
0x14d: {  	[tilespmem:s7+$0xFFFFFFF0] =	vst v0  }
0x14e: {  	[tilespmem:s7+$0x0] =	vst v0  }
0x14f: {  	[tilespmem:s7+$0x10] =	vst v0  }
0x150: {  	s11 =	simm.s32 $0x14820;
	[tilespmem:s7+$0xFFFFFFE0] =	vst v0  }
0x151: {  	[tilespmem:s11+$0xFFFFFFF0] =	vst v0  }
0x152: {  	[tilespmem:s11+$0x0] =	vst v0  }
0x153: {  	[tilespmem:s11+$0x10] =	vst v0  }
0x154: {  	s12 =	simm.s32 $0x14C20;
	[tilespmem:s11+$0xFFFFFFE0] =	vst v0  }
0x155: {  	[tilespmem:s12+$0xFFFFFFF0] =	vst v0  }
0x156: {  	[tilespmem:s12+$0x0] =	vst v0  }
0x157: {  	[tilespmem:s12+$0x10] =	vst v0  }
0x158: {  	s13 =	simm.s32 $0x15020;
	[tilespmem:s12+$0xFFFFFFE0] =	vst v0  }
0x159: {  	[tilespmem:s13+$0xFFFFFFF0] =	vst v0  }
0x15a: {  	[tilespmem:s13+$0x0] =	vst v0  }
0x15b: {  	[tilespmem:s13+$0x10] =	vst v0  }
0x15c: {  	s14 =	simm.s32 $0x15420;
	[tilespmem:s13+$0xFFFFFFE0] =	vst v0  }
0x15d: {  	[tilespmem:s14+$0xFFFFFFF0] =	vst v0  }
0x15e: {  	[tilespmem:s14+$0x0] =	vst v0  }
0x15f: {  	[tilespmem:s14+$0x10] =	vst v0  }
0x160: {  	s15 =	simm.s32 $0x15820;
	[tilespmem:s14+$0xFFFFFFE0] =	vst v0  }
0x161: {  	[tilespmem:s15+$0xFFFFFFF0] =	vst v0  }
0x162: {  	[tilespmem:s15+$0x0] =	vst v0  }
0x163: {  	[tilespmem:s15+$0x10] =	vst v0  }
0x164: {  	s16 =	simm.s32 $0x15C20;
	[tilespmem:s15+$0xFFFFFFE0] =	vst v0  }
0x165: {  	[tilespmem:s16+$0xFFFFFFF0] =	vst v0  }
0x166: {  	[tilespmem:s16+$0x0] =	vst v0  }
0x167: {  	[tilespmem:s16+$0x10] =	vst v0  }
0x168: {  	s0 =	simm.s32 $0x12C00;
	s4 =	simm.s32 $0x14060;
	s17 =	simm.s32 $0x0;
	[tilespmem:s16+$0xFFFFFFE0] =	vst v0  }
.LBB2_7:
0x169: {  	[tilespmem:s4+$0xFFFFFFF0] =	vst v0;
	s7 =	sadd.s32 $0x40, s7  }
0x16a: {  	s11 =	sadd.s32 $0x40, s11;
	[tilespmem:s7+$0xFFFFFFF0] =	vst v0  }
0x16b: {  	s12 =	sadd.s32 $0x40, s12;
	[tilespmem:s11+$0xFFFFFFF0] =	vst v0  }
0x16c: {  	s13 =	sadd.s32 $0x40, s13;
	[tilespmem:s12+$0xFFFFFFF0] =	vst v0  }
0x16d: {  	s14 =	sadd.s32 $0x40, s14;
	[tilespmem:s13+$0xFFFFFFF0] =	vst v0  }
0x16e: {  	s15 =	sadd.s32 $0x40, s15;
	[tilespmem:s14+$0xFFFFFFF0] =	vst v0  }
0x16f: {  	s16 =	sadd.s32 $0x40, s16;
	[tilespmem:s15+$0xFFFFFFF0] =	vst v0  }
0x170: {  	[tilespmem:s16+$0xFFFFFFF0] =	vst v0  }
0x171: {  	[tilespmem:s4+$0x0] =	vst v0  }
0x172: {  	[tilespmem:s7+$0x0] =	vst v0  }
0x173: {  	[tilespmem:s11+$0x0] =	vst v0  }
0x174: {  	[tilespmem:s12+$0x0] =	vst v0  }
0x175: {  	[tilespmem:s13+$0x0] =	vst v0  }
0x176: {  	[tilespmem:s14+$0x0] =	vst v0  }
0x177: {  	[tilespmem:s15+$0x0] =	vst v0  }
0x178: {  	[tilespmem:s16+$0x0] =	vst v0  }
0x179: {  	[tilespmem:s4+$0x10] =	vst v0  }
0x17a: {  	[tilespmem:s7+$0x10] =	vst v0  }
0x17b: {  	[tilespmem:s11+$0x10] =	vst v0  }
0x17c: {  	[tilespmem:s12+$0x10] =	vst v0  }
0x17d: {  	[tilespmem:s13+$0x10] =	vst v0  }
0x17e: {  	[tilespmem:s14+$0x10] =	vst v0  }
0x17f: {  	[tilespmem:s15+$0x10] =	vst v0  }
0x180: {  	[tilespmem:s16+$0x10] =	vst v0  }
0x181: {  	[tilespmem:s4+$0xFFFFFFE0] =	vst v0  }
0x182: {  	s17 =	sadd.s32 $0x4, s17;
	[tilespmem:s7+$0xFFFFFFE0] =	vst v0  }
0x183: {  	p2 =	slt.u32 s17, $0x3C;
	[tilespmem:s11+$0xFFFFFFE0] =	vst v0  }
.Ltmp2:
0x184: {  	[tilespmem:s12+$0xFFFFFFE0] =	vst v0;
	(pc) =	sbr.rel @p2 .LBB2_7-.Ltmp2, $4  }
0x185: {  	[tilespmem:s13+$0xFFFFFFE0] =	vst v0  }
0x186: {  	[tilespmem:s14+$0xFFFFFFE0] =	vst v0  }
0x187: {  	s25 =	simm.s32 $0x0;
	s10 =	simm.s32 $0x1000;
	[tilespmem:s15+$0xFFFFFFE0] =	vst v0  }
0x188: {  	p0 =	por $0x0, $0x0;
	s4 =	sadd.s32 $0x40, s4;
	[tilespmem:s16+$0xFFFFFFE0] =	vst v0  }
0x189: {  	s3 =	sand.u32 $0x40, s25  }
0x18a: {  	s4 =	sand.u32 $0xF80, s25;
	s7 =	sor.u32 $0x30, s3  }
0x18b: {  	v1 =	vld [tilespmem:s10+$0x0];
	s29 =	sand.u32 $0x7C00, s25;
	s11 =	sor.u32 s4, s7  }
0x18c: {  	s10 =	sadd.s32 $0xA000, s29;
	v8 =	vld [tilespmem:s11+$0x1000]  }
0x18d: {  	s7 =	sor.u32 s7, s10;
	v7 =	vld [tilespmem:s11+$0x0]  }
0x18e: {  	v4 =	vld [tilespmem:s7+$0x0]  }
0x18f: {  	v2 =	vld [tilespmem:s25+$0x0];
	s30 =	sor.u32 $0x10, s3;
	s12 =	sor.u32 s3, s10  }
0x190: {  	s13 =	sor.u32 s4, s30;
	v9 =	vld [tilespmem:s12+$0x0]  }
0x191: {  	s3 =	sor.u32 $0x20, s3;
	s11 =	sor.u32 s30, s10;
	v3 =	vld [tilespmem:s13+$0x1000]  }
0x192: {  	s4 =	sor.u32 s4, s3;
	v10 =	vld [tilespmem:s11+$0x0]  }
0x193: {  	v5 =	vld [tilespmem:s4+$0x1000];
	v6 =	vmul.f32 v4, v8  }
0x194: {  	s24 =	simm.s32 $0x14000;
	v4 =	vld [tilespmem:s13+$0x0]  }
0x195: {  	[tilespmem:v7+s24+$0x0] =	vst.idx.add.f32.msk $0xffff, v6  }
0x196: {  	v11 =	vld [tilespmem:s7+$0x80]  }
0x197: {  	s3 =	sor.u32 s3, s10;
	v6 =	vld [tilespmem:s4+$0x0]  }
0x198: {  	v12 =	vld [tilespmem:s3+$0x0];
	v9 =	vmul.f32 v9, v1;
	_ =	sdelay $0x1  }
0x199: {  	v10 =	vmul.f32 v10, v3;
	[tilespmem:v2+s24+$0x0] =	vst.idx.add.f32.msk $0xffff, v9  }
0x19a: {  	v9 =	vld [tilespmem:s12+$0x80];
	v11 =	vmul.f32 v11, v8  }
0x19b: {  	s28 =	simm.s32 $0x14400;
	[tilespmem:v4+s24+$0x0] =	vst.idx.add.f32.msk $0xffff, v10  }
0x19c: {  	v10 =	vmul.f32 v12, v5;
	[tilespmem:v7+s28+$0x0] =	vst.idx.add.f32.msk $0xffff, v11  }
0x19d: {  	v11 =	vld [tilespmem:s7+$0x100]  }
0x19e: {  	[tilespmem:v6+s24+$0x0] =	vst.idx.add.f32.msk $0xffff, v10  }
0x19f: {  	v10 =	vld [tilespmem:s11+$0x80]  }
0x1a0: {  	v9 =	vmul.f32 v9, v1;
	v12 =	vld [tilespmem:s3+$0x80];
	_ =	sdelay $0x1  }
0x1a1: {  	[tilespmem:v2+s28+$0x0] =	vst.idx.add.f32.msk $0xffff, v9;
	v9 =	vmul.f32 v11, v8  }
0x1a2: {  	s2 =	simm.s32 $0x14800;
	v11 =	vld [tilespmem:s12+$0x100]  }
0x1a3: {  	v10 =	vmul.f32 v10, v3;
	[tilespmem:v7+s2+$0x0] =	vst.idx.add.f32.msk $0xffff, v9  }
0x1a4: {  	v9 =	vmul.f32 v12, v5;
	v12 =	vld [tilespmem:s7+$0x180]  }
0x1a5: {  	[tilespmem:v4+s28+$0x0] =	vst.idx.add.f32.msk $0xffff, v10  }
0x1a6: {  	s4 =	simm.s32 $0x1;
	[tilespmem:v6+s28+$0x0] =	vst.idx.add.f32.msk $0xffff, v9  }
0x1a7: {  	s4 =	simm.s32 @!p0 $0x0;
	v9 =	vld [tilespmem:s11+$0x100]  }
0x1a8: {  	s4 =	sshll.u32 s4, $0x6;
	v10 =	vmul.f32 v11, v1;
	v11 =	vld [tilespmem:s3+$0x100]  }
0x1a9: {  	s4 =	sadd.s32 $0x0, s4;
	v12 =	vmul.f32 v12, v8  }
0x1aa: {  	s31 =	sadd.s32 $0x30, s4;
	[tilespmem:v2+s2+$0x0] =	vst.idx.add.f32.msk $0xffff, v10  }
0x1ab: {  	s13 =	sor.u32 $0x200, s31;
	[tilespmem:v7+s8+$0x0] =	vst.idx.add.f32.msk $0xffff, v12  }
0x1ac: {  	v9 =	vmul.f32 v9, v3;
	v10 =	vld [tilespmem:s13+$0xA000]  }
0x1ad: {  	v12 =	vld [tilespmem:s12+$0x180];
	v11 =	vmul.f32 v11, v5  }
0x1ae: {  	[tilespmem:v4+s2+$0x0] =	vst.idx.add.f32.msk $0xffff, v9  }
0x1af: {  	[tilespmem:v6+s2+$0x0] =	vst.idx.add.f32.msk $0xffff, v11  }
0x1b0: {  	v9 =	vld [tilespmem:s11+$0x180]  }
0x1b1: {  	v11 =	vld [tilespmem:s3+$0x180];
	v10 =	vmul.f32 v10, v8;
	_ =	sdelay $0x1  }
0x1b2: {  	s14 =	sor.u32 $0x280, s31;
	v12 =	vmul.f32 v12, v1;
	[tilespmem:v7+s5+$0x0] =	vst.idx.add.f32.msk $0xffff, v10  }
0x1b3: {  	v10 =	vld [tilespmem:s14+$0xA000]  }
0x1b4: {  	s15 =	sor.u32 $0x200, s4;
	[tilespmem:v2+s8+$0x0] =	vst.idx.add.f32.msk $0xffff, v12;
	v9 =	vmul.f32 v9, v3  }
0x1b5: {  	v12 =	vld [tilespmem:s15+$0xA000];
	v11 =	vmul.f32 v11, v5  }
0x1b6: {  	s16 =	sadd.s32 $0x10, s4;
	[tilespmem:v4+s8+$0x0] =	vst.idx.add.f32.msk $0xffff, v9  }
0x1b7: {  	s18 =	sadd.s32 $0x20, s4;
	s19 =	sor.u32 $0x200, s16;
	[tilespmem:v6+s8+$0x0] =	vst.idx.add.f32.msk $0xffff, v11  }
0x1b8: {  	s22 =	sor.u32 $0x200, s18;
	v9 =	vld [tilespmem:s19+$0xA000];
	v10 =	vmul.f32 v10, v8  }
0x1b9: {  	v11 =	vld [tilespmem:s22+$0xA000]  }
0x1ba: {  	s23 =	sor.u32 $0x300, s31;
	[tilespmem:v7+s21+$0x0] =	vst.idx.add.f32.msk $0xffff, v10  }
0x1bb: {  	v10 =	vmul.f32 v12, v1;
	v12 =	vld [tilespmem:s23+$0xA000];
	_ =	sdelay $0x1  }
0x1bc: {  	s26 =	sor.u32 $0x280, s4;
	v9 =	vmul.f32 v9, v3;
	[tilespmem:v2+s5+$0x0] =	vst.idx.add.f32.msk $0xffff, v10  }
0x1bd: {  	v11 =	vmul.f32 v11, v5;
	v10 =	vld [tilespmem:s26+$0xA000]  }
0x1be: {  	[tilespmem:v4+s5+$0x0] =	vst.idx.add.f32.msk $0xffff, v9  }
0x1bf: {  	s29 =	sor.u32 $0x280, s16;
	[tilespmem:v6+s5+$0x0] =	vst.idx.add.f32.msk $0xffff, v11;
	v9 =	vmul.f32 v12, v8  }
0x1c0: {  	v12 =	vld [tilespmem:s29+$0xA000]  }
0x1c1: {  	s7 =	sor.u32 $0x380, s31;
	[tilespmem:v7+s1+$0x0] =	vst.idx.add.f32.msk $0xffff, v9  }
0x1c2: {  	s30 =	sor.u32 $0x280, s18;
	s17 =	sor.u32 $0x300, s18;
	v11 =	vmul.f32 v10, v1;
	v9 =	vld [tilespmem:s7+$0xA000]  }
0x1c3: {  	s31 =	sor.u32 $0x300, s4;
	s12 =	simm.s32 $0x0;
	s13 =	sor.u32 $0x380, s18;
	v10 =	vld [tilespmem:s30+$0xA000]  }
0x1c4: {  	s18 =	sor.u32 $0x380, s4;
	s11 =	simm.s32 $0x0;
	s14 =	sor.u32 $0x380, s16;
	[tilespmem:v2+s21+$0x0] =	vst.idx.add.f32.msk $0xffff, v11  }
0x1c5: {  	s19 =	sor.u32 $0x300, s16;
	s23 =	simm.s32 $0x0;
	s7 =	simm.s32 $0x1040;
	v11 =	vld [tilespmem:s31+$0xA000];
	v12 =	vmul.f32 v12, v3  }
.LBB2_9:
0x1c6: {  	v13 =	vld [tilespmem:s7+$0x0]  }
0x1c7: {  	[tilespmem:v4+s21+$0x0] =	vst.idx.add.f32.msk $0xffff, v12;
	v8 =	vmul.f32 v9, v8  }
0x1c8: {  	v9 =	vld [tilespmem:s19+$0xA000];
	v10 =	vmul.f32 v10, v5  }
0x1c9: {  	[tilespmem:v7+s6+$0x0] =	vst.idx.add.f32.msk $0xffff, v8  }
0x1ca: {  	v7 =	vmul.f32 v11, v1;
	[tilespmem:v6+s21+$0x0] =	vst.idx.add.f32.msk $0xffff, v10  }
0x1cb: {  	v10 =	vld [tilespmem:s17+$0xA000]  }
0x1cc: {  	s25 =	sadd.s32 $0x40, s25;
	[tilespmem:v2+s1+$0x0] =	vst.idx.add.f32.msk $0xffff, v7  }
0x1cd: {  	s11 =	sadd.s32 $0x200, s11;
	s12 =	sadd.s32 $0x40, s12;
	s3 =	sand.u32 $0x40, s25;
	v11 =	vld [tilespmem:s18+$0xA000];
	v7 =	vmul.f32 v9, v3  }
0x1ce: {  	s23 =	sadd.s32 $0x4, s23;
	s4 =	sand.u32 $0xF80, s25;
	s10 =	sor.u32 $0x30, s3;
	v9 =	vld [tilespmem:s12+$0x0]  }
0x1cf: {  	s15 =	sand.u32 $0x7C00, s11;
	p2 =	slt.u32 s23, $0xFC;
	s16 =	sor.u32 s4, s10;
	[tilespmem:v4+s1+$0x0] =	vst.idx.add.f32.msk $0xffff, v7  }
0x1d0: {  	s15 =	sadd.s32 $0xA000, s15;
	s19 =	sor.u32 $0x20, s3;
	s18 =	sor.u32 $0x10, s3;
	v8 =	vld [tilespmem:s16+$0x1000];
	v12 =	vmul.f32 v10, v5  }
0x1d1: {  	s26 =	sor.u32 s4, s19;
	s22 =	sor.u32 s4, s18;
	s4 =	sor.u32 s10, s15;
	v7 =	vld [tilespmem:s16+$0x0]  }
0x1d2: {  	s17 =	sor.u32 s3, s15;
	s16 =	sor.u32 s18, s15;
	s15 =	sor.u32 s19, s15;
	v14 =	vld [tilespmem:s4+$0x0];
	v10 =	vmul.f32 v11, v1;
	v1 =	vmov v13  }
0x1d3: {  	v11 =	vld [tilespmem:s17+$0x0]  }
0x1d4: {  	v13 =	vld [tilespmem:s22+$0x1000]  }
0x1d5: {  	v15 =	vld [tilespmem:s16+$0x0]  }
0x1d6: {  	v16 =	vld [tilespmem:s26+$0x1000]  }
0x1d7: {  	v17 =	vld [tilespmem:s15+$0x0];
	v14 =	vmul.f32 v14, v8  }
0x1d8: {  	v11 =	vmul.f32 v11, v1;
	v18 =	vld [tilespmem:s22+$0x0]  }
0x1d9: {  	[tilespmem:v7+s24+$0x0] =	vst.idx.add.f32.msk $0xffff, v14  }
0x1da: {  	v14 =	vmul.f32 v15, v13;
	v15 =	vld [tilespmem:s4+$0x80]  }
0x1db: {  	v19 =	vld [tilespmem:s26+$0x0]  }
0x1dc: {  	[tilespmem:v9+s24+$0x0] =	vst.idx.add.f32.msk $0xffff, v11;
	v11 =	vmul.f32 v17, v16  }
0x1dd: {  	v17 =	vld [tilespmem:s17+$0x80]  }
0x1de: {  	[tilespmem:v6+s1+$0x0] =	vst.idx.add.f32.msk $0xffff, v12  }
0x1df: {  	v12 =	vmul.f32 v15, v8;
	v15 =	vld [tilespmem:s14+$0xA000]  }
0x1e0: {  	[tilespmem:v18+s24+$0x0] =	vst.idx.add.f32.msk $0xffff, v14  }
0x1e1: {  	[tilespmem:v7+s28+$0x0] =	vst.idx.add.f32.msk $0xffff, v12  }
0x1e2: {  	v12 =	vmul.f32 v17, v1;
	v14 =	vld [tilespmem:s4+$0x100]  }
0x1e3: {  	[tilespmem:v19+s24+$0x0] =	vst.idx.add.f32.msk $0xffff, v11  }
0x1e4: {  	v11 =	vld [tilespmem:s16+$0x80];
	v15 =	vmul.f32 v15, v3;
	v3 =	vmov v13  }
0x1e5: {  	v13 =	vld [tilespmem:s15+$0x80]  }
0x1e6: {  	[tilespmem:v9+s28+$0x0] =	vst.idx.add.f32.msk $0xffff, v12  }
0x1e7: {  	v12 =	vld [tilespmem:s17+$0x100];
	v14 =	vmul.f32 v14, v8  }
0x1e8: {  	v17 =	vld [tilespmem:s13+$0xA000]  }
0x1e9: {  	v11 =	vmul.f32 v11, v3;
	[tilespmem:v7+s2+$0x0] =	vst.idx.add.f32.msk $0xffff, v14  }
0x1ea: {  	v13 =	vmul.f32 v13, v16;
	v14 =	vld [tilespmem:s4+$0x180]  }
0x1eb: {  	[tilespmem:v18+s28+$0x0] =	vst.idx.add.f32.msk $0xffff, v11  }
0x1ec: {  	p0 =	por !p0, !p0;
	s3 =	simm.s32 $0x1;
	v11 =	vmul.f32 v12, v1;
	[tilespmem:v19+s28+$0x0] =	vst.idx.add.f32.msk $0xffff, v13  }
0x1ed: {  	s3 =	simm.s32 @!p0 $0x0;
	v12 =	vld [tilespmem:s16+$0x100];
	v13 =	vmul.f32 v17, v5;
	v5 =	vmov v16  }
0x1ee: {  	s3 =	sshll.u32 s3, $0x6;
	v16 =	vld [tilespmem:s15+$0x100]  }
0x1ef: {  	s3 =	sadd.s32 s3, s11;
	[tilespmem:v9+s2+$0x0] =	vst.idx.add.f32.msk $0xffff, v11;
	v11 =	vmul.f32 v14, v8  }
0x1f0: {  	s18 =	sadd.s32 $0x20, s3;
	s13 =	sadd.s32 $0x10, s3;
	s4 =	sadd.s32 $0x30, s3;
	v14 =	vld [tilespmem:s17+$0x180]  }
0x1f1: {  	s29 =	sor.u32 $0x200, s18;
	s10 =	sor.u32 $0x200, s4;
	s28 =	sor.u32 $0x200, s13;
	[tilespmem:v7+s8+$0x0] =	vst.idx.add.f32.msk $0xffff, v11  }
0x1f2: {  	s30 =	sor.u32 $0x200, s3;
	s22 =	sor.u32 $0x280, s18;
	s26 =	sor.u32 $0x280, s13;
	v11 =	vmul.f32 v12, v3;
	v12 =	vld [tilespmem:s10+$0xA000]  }
0x1f3: {  	s31 =	sor.u32 $0x280, s3;
	s19 =	sor.u32 $0x300, s13;
	s17 =	sor.u32 $0x300, s18;
	v16 =	vmul.f32 v16, v5;
	[tilespmem:v4+s6+$0x0] =	vst.idx.add.f32.msk $0xffff, v15;
	v4 =	vmov v18  }
0x1f4: {  	s14 =	sor.u32 $0x380, s13;
	s13 =	sor.u32 $0x380, s18;
	s10 =	sor.u32 $0x300, s3;
	[tilespmem:v18+s2+$0x0] =	vst.idx.add.f32.msk $0xffff, v11  }
0x1f5: {  	s18 =	sor.u32 $0x380, s3;
	v11 =	vmul.f32 v14, v1;
	[tilespmem:v19+s2+$0x0] =	vst.idx.add.f32.msk $0xffff, v16  }
0x1f6: {  	v14 =	vld [tilespmem:s16+$0x180]  }
0x1f7: {  	v15 =	vld [tilespmem:s15+$0x180];
	v12 =	vmul.f32 v12, v8  }
0x1f8: {  	[tilespmem:v9+s8+$0x0] =	vst.idx.add.f32.msk $0xffff, v11  }
0x1f9: {  	s3 =	sor.u32 $0x280, s4;
	[tilespmem:v7+s5+$0x0] =	vst.idx.add.f32.msk $0xffff, v12  }
0x1fa: {  	v11 =	vld [tilespmem:s3+$0xA000]  }
0x1fb: {  	v12 =	vld [tilespmem:s30+$0xA000];
	v14 =	vmul.f32 v14, v3  }
0x1fc: {  	v15 =	vmul.f32 v15, v5;
	[tilespmem:v6+s6+$0x0] =	vst.idx.add.f32.msk $0xffff, v13;
	v6 =	vmov v19  }
0x1fd: {  	[tilespmem:v18+s8+$0x0] =	vst.idx.add.f32.msk $0xffff, v14  }
0x1fe: {  	[tilespmem:v19+s8+$0x0] =	vst.idx.add.f32.msk $0xffff, v15  }
0x1ff: {  	v13 =	vld [tilespmem:s28+$0xA000];
	v11 =	vmul.f32 v11, v8  }
0x200: {  	v12 =	vmul.f32 v12, v1;
	v14 =	vld [tilespmem:s29+$0xA000]  }
0x201: {  	s3 =	sor.u32 $0x300, s4;
	[tilespmem:v7+s21+$0x0] =	vst.idx.add.f32.msk $0xffff, v11  }
0x202: {  	v11 =	vld [tilespmem:s3+$0xA000]  }
0x203: {  	[tilespmem:v9+s5+$0x0] =	vst.idx.add.f32.msk $0xffff, v12  }
0x204: {  	s28 =	simm.s32 $0x14400;
	v12 =	vld [tilespmem:s31+$0xA000];
	v13 =	vmul.f32 v13, v3  }
0x205: {  	v14 =	vmul.f32 v14, v5;
	[tilespmem:v2+s6+$0x0] =	vst.idx.add.f32.msk $0xffff, v10;
	v2 =	vmov v9  }
0x206: {  	[tilespmem:v4+s5+$0x0] =	vst.idx.add.f32.msk $0xffff, v13  }
0x207: {  	[tilespmem:v19+s5+$0x0] =	vst.idx.add.f32.msk $0xffff, v14;
	v9 =	vmul.f32 v11, v8  }
0x208: {  	v13 =	vld [tilespmem:s26+$0xA000]  }
.Ltmp3:
0x209: {  	s3 =	sor.u32 $0x380, s4;
	v11 =	vmul.f32 v12, v1;
	[tilespmem:v7+s1+$0x0] =	vst.idx.add.f32.msk $0xffff, v9;
	(pc) =	sbr.rel @p2 .LBB2_9-.Ltmp3, $4  }
0x20a: {  	v9 =	vld [tilespmem:s3+$0xA000]  }
0x20b: {  	v10 =	vld [tilespmem:s22+$0xA000]  }
0x20c: {  	[tilespmem:v2+s21+$0x0] =	vst.idx.add.f32.msk $0xffff, v11  }
0x20d: {  	s7 =	sadd.s32 $0x40, s7;
	v11 =	vld [tilespmem:s10+$0xA000];
	v12 =	vmul.f32 v13, v3  }
0x20e: {  	_ =	sdelay $0x3  }
0x20f: {  	[tilespmem:v4+s21+$0x0] =	vst.idx.add.f32.msk $0xffff, v12  }
0x210: {  	v12 =	vld [tilespmem:s19+$0xA000];
	v10 =	vmul.f32 v10, v5;
	_ =	sdelay $0x1  }
0x211: {  	[tilespmem:v6+s21+$0x0] =	vst.idx.add.f32.msk $0xffff, v10  }
0x212: {  	v10 =	vld [tilespmem:s17+$0xA000]  }
0x213: {  	v11 =	vmul.f32 v11, v1  }
0x214: {  	v12 =	vmul.f32 v12, v3  }
0x215: {  	[tilespmem:v2+s1+$0x0] =	vst.idx.add.f32.msk $0xffff, v11  }
0x216: {  	[tilespmem:v4+s1+$0x0] =	vst.idx.add.f32.msk $0xffff, v12  }
0x217: {  	v12 =	vld [tilespmem:s14+$0xA000];
	v10 =	vmul.f32 v10, v5  }
0x218: {  	v11 =	vld [tilespmem:s18+$0xA000]  }
0x219: {  	[tilespmem:v6+s1+$0x0] =	vst.idx.add.f32.msk $0xffff, v10  }
0x21a: {  	v10 =	vld [tilespmem:s13+$0xA000]  }
0x21b: {  	v8 =	vmul.f32 v9, v8  }
0x21c: {  	v3 =	vmul.f32 v12, v3  }
0x21d: {  	[tilespmem:v7+s6+$0x0] =	vst.idx.add.f32.msk $0xffff, v8  }
0x21e: {  	v1 =	vmul.f32 v11, v1;
	[tilespmem:v4+s6+$0x0] =	vst.idx.add.f32.msk $0xffff, v3  }
0x21f: {  	v63 =	vmul.f32 v10, v5;
	s3 =	rddreg [dreg:$0x11]  }
0x220: {  	s4 =	rddreg [dreg:$0x16];
	[tilespmem:v2+s6+$0x0] =	vst.idx.add.f32.msk $0xffff, v1  }
0x221: {  	s3 =	sadd.s32 @!p1 s4, s3;
	s4 =	rddreg [dreg:$0x0];
	[tilespmem:v6+s6+$0x0] =	vst.idx.add.f32.msk $0xffff, v63  }
0x222: {  	s7 =	simm.s32 @!p1 $0xA000;
	s3 =	sshll.u32 @!p1 s3, $0xC;
	s14 =	rddreg [dreg:$0x12]  }
0x223: {  	s3 =	sadd.s32 @!p1 s4, s3;
	s4 =	simm.s32 @!p1 $0x0;
	s15 =	rddreg [dreg:$0x17]  }
0x224: {  	[tilespmem:s7], [sflag:$0x2] =	stream.linear.gather @!p1 [hbm4b:s3+s4], $0x8000, $0x38;
	[tilespmem:$0x16000] =	vst v63  }
0x225: {  	s3 =	sadd.s32 s15, s14  }
0x226: {  	s16 =	rddreg [dreg:$0x6];
	s3 =	sshll.u32 s3, $0x7  }
0x227: {  	s18 =	rddreg [dreg:$0xa];
	s3 =	sand.u32 $0x1FFFFC00, s3  }
0x228: {  	s17 =	simm.s32 $0x400;
	s19 =	rddreg [dreg:$0xb];
	s4 =	sadd.s32 s16, s3  }
0x229: {  	[hbm4b:s4+s20] =	stream.strided.scatter [tilespmem:s24], [sflag:$0x4], $0x400, s17, s20, $0x38;
	[tilespmem:$0x16000] =	vst v63  }
0x22a: {  	s22 =	rddreg [dreg:$0xc];
	s4 =	sadd.s32 s3, s18  }
0x22b: {  	[hbm4b:s4+s20] =	stream.strided.scatter [tilespmem:s28], [sflag:$0x4], $0x400, s17, s20, $0x38;
	[tilespmem:$0x16000] =	vst v63  }
0x22c: {  	s23 =	rddreg [dreg:$0xd];
	s4 =	sadd.s32 s3, s19  }
0x22d: {  	[hbm4b:s4+s20] =	stream.strided.scatter [tilespmem:s2], [sflag:$0x4], $0x400, s17, s20, $0x38;
	[tilespmem:$0x16000] =	vst v63  }
0x22e: {  	s29 =	simm.s32 $0x12400;
	s31 =	rddreg [dreg:$0x15];
	s4 =	sadd.s32 s3, s22  }
0x22f: {  	[hbm4b:s4+s20] =	stream.strided.scatter [tilespmem:s8], [sflag:$0x4], $0x400, s17, s20, $0x38;
	[tilespmem:$0x16000] =	vst v63  }
0x230: {  	s24 =	rddreg [dreg:$0xe];
	s2 =	sadd.s32 $0x1, s31;
	s4 =	sadd.s32 s3, s23  }
0x231: {  	[hbm4b:s4+s20] =	stream.strided.scatter [tilespmem:s5], [sflag:$0x4], $0x400, s17, s20, $0x38;
	[tilespmem:$0x16000] =	vst v63  }
0x232: {  	s25 =	rddreg [dreg:$0xf];
	p0 =	sne.s32 s2, $0x5;
	s4 =	sadd.s32 s3, s24  }
0x233: {  	[hbm4b:s4+s20] =	stream.strided.scatter [tilespmem:s21], [sflag:$0x4], $0x400, s17, s20, $0x38;
	[tilespmem:$0x16000] =	vst v63  }
.Ltmp4:
0x234: {  	s26 =	rddreg [dreg:$0x10];
	s4 =	sadd.s32 s3, s25;
	(pc) =	sbr.rel @p0 .LBB2_2-.Ltmp4, $4  }
0x235: {  	[hbm4b:s4+s20] =	stream.strided.scatter [tilespmem:s1], [sflag:$0x4], $0x400, s17, s20, $0x38;
	[tilespmem:$0x16000] =	vst v63  }
0x236: {  	s30 =	simm.s32 $0x13C00;
	s18 =	simm.s32 $0x12800;
	s3 =	sadd.s32 s3, s26  }
0x237: {  	[hbm4b:s3+s20] =	stream.strided.scatter [tilespmem:s6], [sflag:$0x4], $0x400, s17, s20, $0x38;
	[tilespmem:$0x16000] =	vst v63  }
0x238: {  	s28 =	simm.s32 $0x12000;
	s22 =	simm.s32 $0x13400;
	s20 =	simm.s32 $0x13000  }
0x239: {  	s2 =	simm.s32 $0x3  }
0x23a: {  	_ =	swait.ge [sflag:s2], $0x400  }
0x23b: {  	[sflag:s2] =	ssyncset.done $0x0  }
0x23c: {  	[sflag:s2] =	ssyncadd.s32 $0xFFFFFC00  }
0x23d: {  	_ =	swait.ge [sflag:s2], $0x400  }
0x23e: {  	[sflag:s2] =	ssyncset.done $0x0  }
0x23f: {  	[sflag:s2] =	ssyncadd.s32 $0xFFFFFC00  }
0x240: {  	_ =	swait.ge [sflag:s2], $0x400  }
0x241: {  	[sflag:s2] =	ssyncset.done $0x0  }
0x242: {  	[sflag:s2] =	ssyncadd.s32 $0xFFFFFC00  }
0x243: {  	_ =	swait.ge [sflag:s2], $0x400  }
0x244: {  	[sflag:s2] =	ssyncset.done $0x0  }
0x245: {  	[sflag:s2] =	ssyncadd.s32 $0xFFFFFC00  }
0x246: {  	_ =	swait.ge [sflag:s2], $0x400  }
0x247: {  	[sflag:s2] =	ssyncset.done $0x0  }
0x248: {  	[sflag:s2] =	ssyncadd.s32 $0xFFFFFC00  }
0x249: {  	_ =	swait.ge [sflag:s2], $0x400  }
0x24a: {  	[sflag:s2] =	ssyncset.done $0x0  }
0x24b: {  	[sflag:s2] =	ssyncadd.s32 $0xFFFFFC00  }
0x24c: {  	_ =	swait.ge [sflag:s2], $0x400  }
0x24d: {  	[sflag:s2] =	ssyncset.done $0x0  }
0x24e: {  	[sflag:s2] =	ssyncadd.s32 $0xFFFFFC00  }
0x24f: {  	_ =	swait.ge [sflag:s2], $0x400  }
0x250: {  	[sflag:s2] =	ssyncset.done $0x0  }
0x251: {  	s31 =	simm.s32 $0x4;
	[sflag:s2] =	ssyncadd.s32 $0xFFFFFC00  }
0x252: {  	_ =	swait.ge [sflag:s31], $0x400  }
0x253: {  	[sflag:s31] =	ssyncset.done $0x0  }
0x254: {  	[sflag:s31] =	ssyncadd.s32 $0xFFFFFC00  }
0x255: {  	_ =	swait.ge [sflag:s31], $0x400  }
0x256: {  	[sflag:s31] =	ssyncset.done $0x0  }
0x257: {  	[sflag:s31] =	ssyncadd.s32 $0xFFFFFC00  }
0x258: {  	_ =	swait.ge [sflag:s31], $0x400  }
0x259: {  	[sflag:s31] =	ssyncset.done $0x0  }
0x25a: {  	[sflag:s31] =	ssyncadd.s32 $0xFFFFFC00  }
0x25b: {  	_ =	swait.ge [sflag:s31], $0x400  }
0x25c: {  	[sflag:s31] =	ssyncset.done $0x0  }
0x25d: {  	[sflag:s31] =	ssyncadd.s32 $0xFFFFFC00  }
0x25e: {  	_ =	swait.ge [sflag:s31], $0x400  }
0x25f: {  	[sflag:s31] =	ssyncset.done $0x0  }
0x260: {  	[sflag:s31] =	ssyncadd.s32 $0xFFFFFC00  }
0x261: {  	_ =	swait.ge [sflag:s31], $0x400  }
0x262: {  	[sflag:s31] =	ssyncset.done $0x0  }
0x263: {  	[sflag:s31] =	ssyncadd.s32 $0xFFFFFC00  }
0x264: {  	_ =	swait.ge [sflag:s31], $0x400  }
0x265: {  	[sflag:s31] =	ssyncset.done $0x0  }
0x266: {  	[sflag:s31] =	ssyncadd.s32 $0xFFFFFC00  }
0x267: {  	_ =	swait.ge [sflag:s31], $0x400  }
0x268: {  	s4 =	rddreg [dreg:$0x14]  }
0x269: {  	s3 =	rddreg [dreg:$0x13];
	s4 =	sadd.s32 $0x1, s4  }
0x26a: {  	p0 =	sne.s32 s4, s3  }
.Ltmp5:
0x26b: {  	_ = 	snop;
	(pc) =	sbr.rel @p0 .LBB2_1-.Ltmp5, $3  }
0x26c: {  	_ =	sdelay $0x1  }
0x26d: {  	[sflag:s31] =	ssyncset.done $0x0  }
0x26e: {  	[sflag:s31] =	ssyncadd.s32 $0xFFFFFC00  }
0x26f: {  	_ =	sfence.sel $0x180000  }
0x270: {  	[bflag:$0x0] =	sbarrier.arrive $0xFFFF  }
0x271: {  	_ =	strace $0x90000047  }
0x272: {  	s0 =	stileid.u32;
	[bflag:$0x2] =	sbarrier.arrive $0xFFFF  }
0x273: {  	p0 =	sne.s32 s0, $0x0;
	s0 =	rddreg [dreg:$0x4]  }
0x274: {  	s0 =	sadd.s32 @!p0 $0x100000, s0  }
0x275: {  	[sflag:s0] =	ssyncadd.tile.s32 @!p0 $0x1;
	_ =	shalt  }
.Lfunc_end2:
_tile_overlayer_lowered:
.L_overlay_start_2:
0x276: {  	(tag) =	ssettag $0x2  }
0x277: {  	s0 =	rddreg [dreg:$0x0];
	s2 =	stileid.u32  }
0x278: {  	s1 =	rddreg [dreg:$0x1];
	p0 =	sne.s32 s2, $0x0  }
0x279: {  	s3 =	rddreg [dreg:$0x2];
	[bflag:$0x3] =	sbarrier.arrive $0xFFFF;
	s2 =	simm.s32 @!p0 $0x1C05  }
0x27a: {  	[timem:s3], [sflag:s2] =	dma.local @!p0 [hbm:s0], s1  }
0x27b: {  	s0 =	simm.s32 @!p0 $0x5  }
0x27c: {  	_ =	swait.ge @!p0 [sflag:s0], s1  }
0x27d: {  	s1 =	ssub.s32 @!p0 $0x0, s1;
	[sflag:s0] =	ssyncset.done @!p0 $0x0  }
0x27e: {  	[sflag:s0] =	ssyncadd.s32 @!p0 s1  }
0x27f: {  	[bflag:$0x3] =	sbarrier.arrive $0xFFFF  }
0x280: {  	_ =	shalt  }

</sc_bundles>
